<compile_context>
chip_gen: v7x
topology: tpu7x:2x2x1
jax: 0.10.2.dev20260603
libtpu: 0.0.44.dev20260713+nightly
codegen_flags: <defaults>
</compile_context>

<pallas_src>
import functools

import numpy as np
import jax
import jax.numpy as jnp
from jax import lax
from jax.experimental import pallas as pl
from jax.experimental.pallas import tpu as pltpu
from jax.experimental.pallas import tpu_sc as plsc


_RES = 64
_BM = 2048
_NW = 32
_NT = 16
_CH = 256
_TSZ = _RES ** 3 + 1024
_SENT = _RES ** 3
_JUNK = _RES ** 3 + 2


def _child_parent_maps():
    A = np.zeros((2, 3, 3), dtype=np.float32)
    A[0, 0, 0] = 1.0
    A[0, 1, 1] = A[0, 1, 2] = 1.0
    A[1, 1, 0] = A[1, 1, 1] = 1.0
    A[1, 2, 2] = 1.0
    M = np.zeros((8, 27, 27), dtype=np.float32)
    for ox in range(2):
        for oy in range(2):
            for oz in range(2):
                o = 4 * ox + 2 * oy + oz
                for ex in range(3):
                    for ey in range(3):
                        for ez in range(3):
                            e = 9 * ex + 3 * ey + ez
                            for dx in range(3):
                                for dy in range(3):
                                    for dz in range(3):
                                        d = 9 * dx + 3 * dy + dz
                                        M[o, e, d] = (A[ox, ex, dx]
                                                      * A[oy, ey, dy]
                                                      * A[oz, ez, dz])
    return jnp.asarray(M)


def _as_i32_rows(x_bf16):
    u = lax.bitcast_convert_type(x_bf16, jnp.uint16)
    lo = u[:, 0::2].astype(jnp.int32)
    hi = u[:, 1::2].astype(jnp.int32)
    return (hi << 16) | lo


def _sc_conv1_gather(nkx, keys_pad, ids, feats_i32, ztab, npad):
    rtot = npad * 27
    nch = rtot // _CH
    steps = -(-nch // _NW)
    rf = feats_i32.shape[0]
    ts, fs, vs = _TSZ // _CH, rf // _CH, npad // _NT
    mesh = plsc.VectorSubcoreMesh(core_axis_name="c", subcore_axis_name="s")

    @functools.partial(
        pl.kernel, mesh=mesh,
        out_type=(jax.ShapeDtypeStruct((rtot,), jnp.int32),
                  jax.ShapeDtypeStruct((rtot // 8, 128), jnp.int32)),
        compiler_params=pltpu.CompilerParams(use_tc_tiling_on_sc=False),
        scratch_types=[
            pltpu.VMEM_SHARED((_TSZ,), jnp.int32),
            pltpu.VMEM_SHARED((rf, 16), jnp.int32),
            pltpu.VMEM((vs // 4,), jnp.int32),
            pltpu.VMEM((vs // 4,), jnp.int32),
            pltpu.VMEM((_CH,), jnp.int32),
            pltpu.VMEM((_CH,), jnp.int32),
            pltpu.VMEM((_CH, 16), jnp.int32),
            pltpu.VMEM((_CH // 8, 128), jnp.int32),
            pltpu.SemaphoreType.DMA,
        ],
    )
    def k(nkx_hbm, keys_hbm, ids_hbm, feats_hbm, ztab_hbm, g_hbm, gout_hbm,
          tab_sh, feats_sh, keys_v, ids_v, nk_v, g_v, rows_v, out128_v, sem):
        sid = lax.axis_index("s")
        wid = sid * 2 + lax.axis_index("c")

        def zstage(t, carry):
            c = sid + t * _NT

            @pl.when(c < ts)
            def _():
                pltpu.sync_copy(ztab_hbm.at[pl.ds(c * _CH, _CH)], g_v)
                pltpu.sync_copy(g_v, tab_sh.at[pl.ds(c * _CH, _CH)])

            return carry

        def fstage(t, carry):
            c = sid + t * _NT

            @pl.when(c < fs)
            def _():
                pltpu.sync_copy(feats_hbm.at[pl.ds(c * _CH, _CH)], rows_v)
                pltpu.sync_copy(rows_v, feats_sh.at[pl.ds(c * _CH, _CH)])

            return carry

        lax.fori_loop(0, -(-ts // _NT), zstage, 0)
        lax.fori_loop(0, -(-fs // _NT), fstage, 0)
        plsc.subcore_barrier()

        def scat(p, carry):
            off = sid * vs + p * (vs // 4)
            pltpu.sync_copy(keys_hbm.at[pl.ds(off, vs // 4)], keys_v)
            pltpu.sync_copy(ids_hbm.at[pl.ds(off, vs // 4)], ids_v)
            pltpu.async_copy(ids_v, tab_sh.at[keys_v], sem).wait()
            return carry

        lax.fori_loop(0, 4, scat, 0)
        plsc.subcore_barrier()

        def step(t, carry):
            c = wid + t * _NW

            @pl.when(c < nch)
            def _():
                pltpu.sync_copy(nkx_hbm.at[pl.ds(c * _CH, _CH)], nk_v)
                pltpu.async_copy(tab_sh.at[nk_v], g_v, sem).wait()
                pltpu.async_copy(feats_sh.at[g_v], rows_v, sem).wait()
                pltpu.sync_copy(g_v, g_hbm.at[pl.ds(c * _CH, _CH)])

                def repack(t, carry2):
                    for u in range(8):
                        out128_v[t, pl.ds(u * 16, 16)] = rows_v[t * 8 + u, :]
                    return carry2

                lax.fori_loop(0, _CH // 8, repack, 0)
                pltpu.sync_copy(
                    out128_v,
                    gout_hbm.at[pl.ds(c * (_CH // 8), _CH // 8)])

            return carry

        lax.fori_loop(0, steps, step, 0)

    return k(nkx, keys_pad, ids, feats_i32, ztab)


def _sc_conv2_gather(g, h1_i32, npad):
    rtot = npad * 27
    nch = rtot // _CH
    steps = -(-nch // _NW)
    rf = h1_i32.shape[0]
    fs = rf // _CH
    mesh = plsc.VectorSubcoreMesh(core_axis_name="c", subcore_axis_name="s")

    @functools.partial(
        pl.kernel, mesh=mesh,
        out_type=jax.ShapeDtypeStruct((rtot // 8, 128), jnp.int32),
        compiler_params=pltpu.CompilerParams(use_tc_tiling_on_sc=False),
        scratch_types=[
            pltpu.VMEM_SHARED((rf, 16), jnp.int32),
            pltpu.VMEM((_CH,), jnp.int32),
            pltpu.VMEM((_CH, 16), jnp.int32),
            pltpu.VMEM((_CH // 8, 128), jnp.int32),
            pltpu.SemaphoreType.DMA,
        ],
    )
    def k(g_hbm, h_hbm, gout_hbm, h_sh, g_v, rows_v, out128_v, sem):
        sid = lax.axis_index("s")
        wid = sid * 2 + lax.axis_index("c")

        def fstage(t, carry):
            c = sid + t * _NT

            @pl.when(c < fs)
            def _():
                pltpu.sync_copy(h_hbm.at[pl.ds(c * _CH, _CH)], rows_v)
                pltpu.sync_copy(rows_v, h_sh.at[pl.ds(c * _CH, _CH)])

            return carry

        lax.fori_loop(0, -(-fs // _NT), fstage, 0)
        plsc.subcore_barrier()

        def step(t, carry):
            c = wid + t * _NW

            @pl.when(c < nch)
            def _():
                pltpu.sync_copy(g_hbm.at[pl.ds(c * _CH, _CH)], g_v)
                pltpu.async_copy(h_sh.at[g_v], rows_v, sem).wait()

                def repack(t, carry2):
                    for u in range(8):
                        out128_v[t, pl.ds(u * 16, 16)] = rows_v[t * 8 + u, :]
                    return carry2

                lax.fori_loop(0, _CH // 8, repack, 0)
                pltpu.sync_copy(
                    out128_v,
                    gout_hbm.at[pl.ds(c * (_CH // 8), _CH // 8)])

            return carry

        lax.fori_loop(0, steps, step, 0)

    return k(g, h1_i32)


def _matmul_silu_kernel(x_ref, we_ref, wo_ref, b_ref, o_ref):
    x = x_ref[...]
    lo = lax.bitcast_convert_type(x << 16, jnp.float32).astype(jnp.bfloat16)
    hi = lax.bitcast_convert_type(x & jnp.int32(-65536),
                                  jnp.float32).astype(jnp.bfloat16)
    z = (jnp.dot(lo, we_ref[...], preferred_element_type=jnp.float32)
         + jnp.dot(hi, wo_ref[...], preferred_element_type=jnp.float32)
         + b_ref[...])
    o_ref[...] = z * (1.0 / (1.0 + jnp.exp(-z)))


def _matmul_silu(x_i32, w, b):
    m, kh = x_i32.shape
    co = w.shape[1]
    we = w[0::2].astype(jnp.bfloat16)
    wo = w[1::2].astype(jnp.bfloat16)
    return pl.pallas_call(
        _matmul_silu_kernel,
        grid=(m // _BM,),
        in_specs=[
            pl.BlockSpec((_BM, kh), lambda i: (i, 0)),
            pl.BlockSpec((kh, co), lambda i: (0, 0)),
            pl.BlockSpec((kh, co), lambda i: (0, 0)),
            pl.BlockSpec((1, co), lambda i: (0, 0)),
        ],
        out_specs=pl.BlockSpec((_BM, co), lambda i: (i, 0)),
        out_shape=jax.ShapeDtypeStruct((m, co), jnp.float32),
    )(x_i32, we, wo, b.reshape(1, co))


def kernel(feats, W1, b1, W2, b2, coords):
    n, cin = feats.shape
    cout = W2.shape[2]
    res = _RES
    npad = ((n + _BM - 1) // _BM) * _BM
    rf = npad + 512

    x, y, z = coords[:, 1], coords[:, 2], coords[:, 3]
    keys = (x * res + y) * res + z
    offs = np.array([[dx, dy, dz]
                     for dx in (-1, 0, 1)
                     for dy in (-1, 0, 1)
                     for dz in (-1, 0, 1)], dtype=np.int32)
    delta = jnp.asarray(offs[:, 0] * res * res + offs[:, 1] * res + offs[:, 2])
    q = coords[:, None, 1:4] + jnp.asarray(offs)[None, :, :]
    valid = jnp.all((q >= 0) & (q < res), axis=-1)
    nkx = jnp.where(valid, keys[:, None] + delta[None, :], _SENT)
    nkx = jnp.pad(nkx, ((0, npad - n), (0, 0)),
                  constant_values=_SENT).reshape(-1)

    keys_pad = jnp.pad(keys, (0, npad - n), constant_values=_JUNK)
    ids = jnp.arange(1, npad + 1, dtype=jnp.int32)
    ztab = jnp.zeros((_TSZ,), jnp.int32)

    fimg = jnp.concatenate(
        [jnp.zeros((1, cin), jnp.bfloat16),
         feats.astype(jnp.bfloat16),
         jnp.zeros((rf - 1 - n, cin), jnp.bfloat16)], 0)
    g, G1 = _sc_conv1_gather(nkx, keys_pad, ids, _as_i32_rows(fimg),
                             ztab, npad)
    G1 = G1.reshape(npad, 27 * cin // 2)
    W1r = W1.reshape(27 * cin, W1.shape[2])
    h1 = _matmul_silu(G1, W1r, b1)

    M = _child_parent_maps()
    W2eff = jnp.einsum('oed,dij->eioj', M, W2).reshape(27 * cin, 8 * cout)
    b2t = jnp.tile(b2, 8)
    himg = jnp.concatenate(
        [jnp.zeros((1, cin), jnp.bfloat16),
         h1.astype(jnp.bfloat16),
         jnp.zeros((rf - 1 - npad, cin), jnp.bfloat16)], 0)
    G2 = _sc_conv2_gather(g, _as_i32_rows(himg), npad)
    G2 = G2.reshape(npad, 27 * cin // 2)
    out = _matmul_silu(G2, W2eff, b2t)[:n]
    return out.reshape(n * 8, cout)

# --- scband reference (transcript-rebuilt; emitter-appended) ---
"""Pipeline reference for scband-sparse-subdivide-block3d-23828478558287 (READ-ONLY COPY).

The authoritative reference and input builder live on the scoring server;
editing this copy changes nothing except your own understanding.
"""

import jax, jax.numpy as jnp
import numpy as np

N = 100000
C_IN = 32
C_OUT = 32
RES = 64


def _linearize(coords, res):
    b = coords[:, 0].astype(jnp.int64)
    x = coords[:, 1].astype(jnp.int64)
    y = coords[:, 2].astype(jnp.int64)
    z = coords[:, 3].astype(jnp.int64)
    return ((b * res + x) * res + y) * res + z


def _sparse_conv3d(coords, feats, W, b, res):
    # Submanifold-style sparse 3x3x3 conv: for each active voxel, gather the
    # features of active neighbors at each of the 27 offsets and apply the
    # per-offset weight matrix. Missing neighbors contribute zero.
    n = coords.shape[0]
    keys = _linearize(coords, res)
    order = jnp.argsort(keys)
    skeys = keys[order]
    sfeats = feats[order]
    acc = jnp.zeros((n, W.shape[2]), dtype=feats.dtype)
    i = 0
    for dx in (-1, 0, 1):
        for dy in (-1, 0, 1):
            for dz in (-1, 0, 1):
                off = jnp.array([0, dx, dy, dz], dtype=coords.dtype)
                q = coords + off[None, :]
                valid = ((q[:, 1] >= 0) & (q[:, 1] < res) &
                         (q[:, 2] >= 0) & (q[:, 2] < res) &
                         (q[:, 3] >= 0) & (q[:, 3] < res))
                qc = jnp.clip(q, 0, res - 1)
                qk = _linearize(qc, res)
                pos = jnp.searchsorted(skeys, qk)
                pos = jnp.minimum(pos, n - 1)
                match = (skeys[pos] == qk) & valid
                nf = jnp.where(match[:, None], sfeats[pos], 0.0)
                acc = acc + nf @ W[i]
                i += 1
    return acc + b[None, :]


def _subdivide(coords, feats):
    # Each active voxel splits into its 8 children at 2x resolution,
    # children inherit the parent feature.
    n = coords.shape[0]
    scale = jnp.array([1, 2, 2, 2], dtype=coords.dtype)
    base = coords * scale[None, :]
    offs = []
    for dx in (0, 1):
        for dy in (0, 1):
            for dz in (0, 1):
                offs.append([0, dx, dy, dz])
    offs = jnp.array(offs, dtype=coords.dtype)
    new_coords = (base[:, None, :] + offs[None, :, :]).reshape(n * 8, 4)
    c = feats.shape[1]
    new_feats = jnp.broadcast_to(feats[:, None, :], (n, 8, c)).reshape(n * 8, c)
    return new_coords, new_feats


def setup_inputs(seed: int = 0) -> dict:
    rng = np.random.default_rng(0)
    lin = rng.choice(RES ** 3, size=N, replace=False)  # unique voxel coords
    x = lin // (RES * RES)
    y = (lin // RES) % RES
    z = lin % RES
    coords = np.stack([np.zeros(N, dtype=np.int64), x, y, z], axis=1).astype(np.int32)
    key = jax.random.key(seed)
    k1, k2, k3, k4, k5 = jax.random.split(key, 5)
    feats = jax.random.normal(k1, (N, C_IN), dtype=jnp.float32)
    W1 = jax.random.normal(k2, (27, C_IN, C_OUT), dtype=jnp.float32) * 0.05
    b1 = jax.random.normal(k3, (C_OUT,), dtype=jnp.float32) * 0.02
    W2 = jax.random.normal(k4, (27, C_OUT, C_OUT), dtype=jnp.float32) * 0.05
    b2 = jax.random.normal(k5, (C_OUT,), dtype=jnp.float32) * 0.02
    return {"feats": feats, "W1": W1, "b1": b1, "W2": W2, "b2": b2,
            "coords": jnp.asarray(coords)}


def reference(feats, W1, b1, W2, b2, coords):
    h = _sparse_conv3d(coords, feats, W1, b1, RES)
    h = jax.nn.silu(h)
    coords2, h = _subdivide(coords, h)
    h = _sparse_conv3d(coords2, h, W2, b2, RES * 2)
    h = jax.nn.silu(h)
    return h

if __name__ == "__main__":
    import jax
    _d = setup_inputs()
    print(jax.jit(kernel)(*tuple(_d.values())))

</pallas_src>

<mosaic_0001>
#map = affine_map<(d0, d1) -> (0)>
#map1 = affine_map<(d0, d1) -> (0, 0)>
module attributes {stable_mosaic.version = 14 : i64} {
  func.func @k(%arg0: i32, %arg1: i32, %arg2: memref<2709504xi32, #tpu.memory_space<hbm>>, %arg3: memref<100352xi32, #tpu.memory_space<hbm>>, %arg4: memref<100352xi32, #tpu.memory_space<hbm>>, %arg5: memref<100864x16xi32, #tpu.memory_space<hbm>>, %arg6: memref<263168xi32, #tpu.memory_space<hbm>>, %arg7: memref<2709504xi32, #tpu.memory_space<hbm>>, %arg8: memref<338688x128xi32, #tpu.memory_space<hbm>>, %arg9: memref<263168xi32, #tpu.memory_space<vmem_shared>>, %arg10: memref<100864x16xi32, #tpu.memory_space<vmem_shared>>, %arg11: memref<1568xi32, #tpu.memory_space<vmem>>, %arg12: memref<1568xi32, #tpu.memory_space<vmem>>, %arg13: memref<256xi32, #tpu.memory_space<vmem>>, %arg14: memref<256xi32, #tpu.memory_space<vmem>>, %arg15: memref<256x16xi32, #tpu.memory_space<vmem>>, %arg16: memref<32x128xi32, #tpu.memory_space<vmem>>, %arg17: memref<!tpu.dma_semaphore, #tpu.memory_space<semaphore_mem>>) attributes {dimension_semantics = [#tpu.dimension_semantics<core_parallel>, #tpu.dimension_semantics<subcore_parallel>], iteration_bounds = array<i64: 2, 16>, scalar_prefetch = 0 : i64, scratch_operands = 9 : i64, tpu.core_type = #tpu.core_type<sc_vector_subcore>, window_params = [{transform_indices = #map}, {transform_indices = #map}, {transform_indices = #map}, {transform_indices = #map1}, {transform_indices = #map}, {transform_indices = #map}, {transform_indices = #map1}]} {
    %mul3A = arith.constant 2 : i32
    %mul3A_0 = arith.muli %arg1, %mul3A : i32
    %add3A = arith.addi %mul3A_0, %arg0 : i32
    %scan3A = arith.constant 0 : i32
    %scan3A_1 = arith.constant 0 : i32
    %scan3A_2 = arith.constant 65 : i32
    %scan3A_3 = arith.addi %scan3A_1, %scan3A_2 : i32
    %scan3A_4 = arith.constant 1 : i32
    scf.for %scan3A_25 = %scan3A_1 to %scan3A_3 step %scan3A_4  : i32 {
      %mul3A_26 = arith.constant 16 : i32
      %mul3A_27 = arith.muli %scan3A_25, %mul3A_26 : i32
      %add3A_28 = arith.addi %arg1, %mul3A_27 : i32
      %lt3A = arith.constant 1028 : i32
      %lt3A_29 = arith.cmpi slt, %add3A_28, %lt3A : i32
      %convert_element_type3A = arith.extui %lt3A_29 : i1 to i32
      %cond3A = arith.constant 0 : i32
      %cond3A_30 = arith.cmpi ne, %convert_element_type3A, %cond3A : i32
      scf.if %cond3A_30 {
        %mul3A_31 = arith.constant 256 : i32
        %mul3A_32 = arith.muli %add3A_28, %mul3A_31 : i32
        "tpu.region"() ({
          %run_scoped3A = tpu.sem_alloc : memref<!tpu.dma_semaphore, #tpu.memory_space<semaphore_mem>>
          %dma_start3A = tpu.memref_slice %arg6[%mul3A_32] : memref<263168xi32, #tpu.memory_space<hbm>> -> memref<256xi32, #tpu.memory_space<hbm>>
          %dma_start3A_35 = tpu.memref_slice %arg6[%mul3A_32] : memref<263168xi32, #tpu.memory_space<hbm>> -> memref<256xi32, #tpu.memory_space<hbm>>
          tpu.enqueue_dma source(%dma_start3A_35 : memref<256xi32, #tpu.memory_space<hbm>>) target(%arg14 : memref<256xi32, #tpu.memory_space<vmem>>) target_semaphore(%run_scoped3A : memref<!tpu.dma_semaphore, #tpu.memory_space<semaphore_mem>>)
          %dma_wait3A = tpu.memref_slice %arg6[%mul3A_32] : memref<263168xi32, #tpu.memory_space<hbm>> -> memref<256xi32, #tpu.memory_space<hbm>>
          %dma_wait3A_36 = tpu.memref_slice %arg6[%mul3A_32] : memref<263168xi32, #tpu.memory_space<hbm>> -> memref<256xi32, #tpu.memory_space<hbm>>
          tpu.wait_dma2 semaphore(%run_scoped3A : memref<!tpu.dma_semaphore, #tpu.memory_space<semaphore_mem>>) src(%dma_wait3A_36 : memref<256xi32, #tpu.memory_space<hbm>>) dst(%arg14 : memref<256xi32, #tpu.memory_space<vmem>>)
          tpu.yield
        }) : () -> ()
        %mul3A_33 = arith.constant 256 : i32
        %mul3A_34 = arith.muli %add3A_28, %mul3A_33 : i32
        "tpu.region"() ({
          %run_scoped3A = tpu.sem_alloc : memref<!tpu.dma_semaphore, #tpu.memory_space<semaphore_mem>>
          %dma_start3A = tpu.memref_slice %arg9[%mul3A_34] : memref<263168xi32, #tpu.memory_space<vmem_shared>> -> memref<256xi32, #tpu.memory_space<vmem_shared>>
          %dma_start3A_35 = tpu.memref_slice %arg9[%mul3A_34] : memref<263168xi32, #tpu.memory_space<vmem_shared>> -> memref<256xi32, #tpu.memory_space<vmem_shared>>
          tpu.enqueue_dma source(%arg14 : memref<256xi32, #tpu.memory_space<vmem>>) target(%dma_start3A_35 : memref<256xi32, #tpu.memory_space<vmem_shared>>) target_semaphore(%run_scoped3A : memref<!tpu.dma_semaphore, #tpu.memory_space<semaphore_mem>>)
          %dma_wait3A = tpu.memref_slice %arg9[%mul3A_34] : memref<263168xi32, #tpu.memory_space<vmem_shared>> -> memref<256xi32, #tpu.memory_space<vmem_shared>>
          %dma_wait3A_36 = tpu.memref_slice %arg9[%mul3A_34] : memref<263168xi32, #tpu.memory_space<vmem_shared>> -> memref<256xi32, #tpu.memory_space<vmem_shared>>
          tpu.wait_dma2 semaphore(%run_scoped3A : memref<!tpu.dma_semaphore, #tpu.memory_space<semaphore_mem>>) src(%arg14 : memref<256xi32, #tpu.memory_space<vmem>>) dst(%dma_wait3A_36 : memref<256xi32, #tpu.memory_space<vmem_shared>>)
          tpu.yield
        }) : () -> ()
      } else {
      }
    }
    %scan3A_5 = arith.constant 65 : i32
    %scan3A_6 = arith.constant 0 : i32
    %scan3A_7 = arith.constant 0 : i32
    %scan3A_8 = arith.constant 25 : i32
    %scan3A_9 = arith.addi %scan3A_7, %scan3A_8 : i32
    %scan3A_10 = arith.constant 1 : i32
    scf.for %scan3A_25 = %scan3A_7 to %scan3A_9 step %scan3A_10  : i32 {
      %mul3A_26 = arith.constant 16 : i32
      %mul3A_27 = arith.muli %scan3A_25, %mul3A_26 : i32
      %add3A_28 = arith.addi %arg1, %mul3A_27 : i32
      %lt3A = arith.constant 394 : i32
      %lt3A_29 = arith.cmpi slt, %add3A_28, %lt3A : i32
      %convert_element_type3A = arith.extui %lt3A_29 : i1 to i32
      %cond3A = arith.constant 0 : i32
      %cond3A_30 = arith.cmpi ne, %convert_element_type3A, %cond3A : i32
      scf.if %cond3A_30 {
        %mul3A_31 = arith.constant 256 : i32
        %mul3A_32 = arith.muli %add3A_28, %mul3A_31 : i32
        "tpu.region"() ({
          %run_scoped3A = tpu.sem_alloc : memref<!tpu.dma_semaphore, #tpu.memory_space<semaphore_mem>>
          %dma_start3A = arith.constant 0 : i32
          %dma_start3A_35 = tpu.memref_slice %arg5[%mul3A_32, %dma_start3A] : memref<100864x16xi32, #tpu.memory_space<hbm>> -> memref<256x16xi32, #tpu.memory_space<hbm>>
          %dma_start3A_36 = arith.constant 0 : i32
          %dma_start3A_37 = tpu.memref_slice %arg5[%mul3A_32, %dma_start3A_36] : memref<100864x16xi32, #tpu.memory_space<hbm>> -> memref<256x16xi32, #tpu.memory_space<hbm>>
          tpu.enqueue_dma source(%dma_start3A_37 : memref<256x16xi32, #tpu.memory_space<hbm>>) target(%arg15 : memref<256x16xi32, #tpu.memory_space<vmem>>) target_semaphore(%run_scoped3A : memref<!tpu.dma_semaphore, #tpu.memory_space<semaphore_mem>>)
          %dma_wait3A = arith.constant 0 : i32
          %dma_wait3A_38 = tpu.memref_slice %arg5[%mul3A_32, %dma_wait3A] : memref<100864x16xi32, #tpu.memory_space<hbm>> -> memref<256x16xi32, #tpu.memory_space<hbm>>
          %dma_wait3A_39 = arith.constant 0 : i32
          %dma_wait3A_40 = tpu.memref_slice %arg5[%mul3A_32, %dma_wait3A_39] : memref<100864x16xi32, #tpu.memory_space<hbm>> -> memref<256x16xi32, #tpu.memory_space<hbm>>
          tpu.wait_dma2 semaphore(%run_scoped3A : memref<!tpu.dma_semaphore, #tpu.memory_space<semaphore_mem>>) src(%dma_wait3A_40 : memref<256x16xi32, #tpu.memory_space<hbm>>) dst(%arg15 : memref<256x16xi32, #tpu.memory_space<vmem>>)
          tpu.yield
        }) : () -> ()
        %mul3A_33 = arith.constant 256 : i32
        %mul3A_34 = arith.muli %add3A_28, %mul3A_33 : i32
        "tpu.region"() ({
          %run_scoped3A = tpu.sem_alloc : memref<!tpu.dma_semaphore, #tpu.memory_space<semaphore_mem>>
          %dma_start3A = arith.constant 0 : i32
          %dma_start3A_35 = tpu.memref_slice %arg10[%mul3A_34, %dma_start3A] : memref<100864x16xi32, #tpu.memory_space<vmem_shared>> -> memref<256x16xi32, #tpu.memory_space<vmem_shared>>
          %dma_start3A_36 = arith.constant 0 : i32
          %dma_start3A_37 = tpu.memref_slice %arg10[%mul3A_34, %dma_start3A_36] : memref<100864x16xi32, #tpu.memory_space<vmem_shared>> -> memref<256x16xi32, #tpu.memory_space<vmem_shared>>
          tpu.enqueue_dma source(%arg15 : memref<256x16xi32, #tpu.memory_space<vmem>>) target(%dma_start3A_37 : memref<256x16xi32, #tpu.memory_space<vmem_shared>>) target_semaphore(%run_scoped3A : memref<!tpu.dma_semaphore, #tpu.memory_space<semaphore_mem>>)
          %dma_wait3A = arith.constant 0 : i32
          %dma_wait3A_38 = tpu.memref_slice %arg10[%mul3A_34, %dma_wait3A] : memref<100864x16xi32, #tpu.memory_space<vmem_shared>> -> memref<256x16xi32, #tpu.memory_space<vmem_shared>>
          %dma_wait3A_39 = arith.constant 0 : i32
          %dma_wait3A_40 = tpu.memref_slice %arg10[%mul3A_34, %dma_wait3A_39] : memref<100864x16xi32, #tpu.memory_space<vmem_shared>> -> memref<256x16xi32, #tpu.memory_space<vmem_shared>>
          tpu.wait_dma2 semaphore(%run_scoped3A : memref<!tpu.dma_semaphore, #tpu.memory_space<semaphore_mem>>) src(%arg15 : memref<256x16xi32, #tpu.memory_space<vmem>>) dst(%dma_wait3A_40 : memref<256x16xi32, #tpu.memory_space<vmem_shared>>)
          tpu.yield
        }) : () -> ()
      } else {
      }
    }
    %scan3A_11 = arith.constant 25 : i32
    %barrier3A = arith.constant 0 : index
    tpu.barrier barrier_id(%barrier3A)
    %scan3A_12 = arith.constant 0 : i32
    %scan3A_13 = arith.constant 0 : i32
    %scan3A_14 = arith.constant 4 : i32
    %scan3A_15 = arith.addi %scan3A_13, %scan3A_14 : i32
    %scan3A_16 = arith.constant 1 : i32
    scf.for %scan3A_25 = %scan3A_13 to %scan3A_15 step %scan3A_16  : i32 {
      %mul3A_26 = arith.constant 6272 : i32
      %mul3A_27 = arith.muli %arg1, %mul3A_26 : i32
      %mul3A_28 = arith.constant 1568 : i32
      %mul3A_29 = arith.muli %scan3A_25, %mul3A_28 : i32
      %add3A_30 = arith.addi %mul3A_27, %mul3A_29 : i32
      "tpu.region"() ({
        %run_scoped3A = tpu.sem_alloc : memref<!tpu.dma_semaphore, #tpu.memory_space<semaphore_mem>>
        %dma_start3A_33 = tpu.memref_slice %arg3[%add3A_30] : memref<100352xi32, #tpu.memory_space<hbm>> -> memref<1568xi32, #tpu.memory_space<hbm>>
        %dma_start3A_34 = tpu.memref_slice %arg3[%add3A_30] : memref<100352xi32, #tpu.memory_space<hbm>> -> memref<1568xi32, #tpu.memory_space<hbm>>
        tpu.enqueue_dma source(%dma_start3A_34 : memref<1568xi32, #tpu.memory_space<hbm>>) target(%arg11 : memref<1568xi32, #tpu.memory_space<vmem>>) target_semaphore(%run_scoped3A : memref<!tpu.dma_semaphore, #tpu.memory_space<semaphore_mem>>)
        %dma_wait3A_35 = tpu.memref_slice %arg3[%add3A_30] : memref<100352xi32, #tpu.memory_space<hbm>> -> memref<1568xi32, #tpu.memory_space<hbm>>
        %dma_wait3A_36 = tpu.memref_slice %arg3[%add3A_30] : memref<100352xi32, #tpu.memory_space<hbm>> -> memref<1568xi32, #tpu.memory_space<hbm>>
        tpu.wait_dma2 semaphore(%run_scoped3A : memref<!tpu.dma_semaphore, #tpu.memory_space<semaphore_mem>>) src(%dma_wait3A_36 : memref<1568xi32, #tpu.memory_space<hbm>>) dst(%arg11 : memref<1568xi32, #tpu.memory_space<vmem>>)
        tpu.yield
      }) : () -> ()
      "tpu.region"() ({
        %run_scoped3A = tpu.sem_alloc : memref<!tpu.dma_semaphore, #tpu.memory_space<semaphore_mem>>
        %dma_start3A_33 = tpu.memref_slice %arg4[%add3A_30] : memref<100352xi32, #tpu.memory_space<hbm>> -> memref<1568xi32, #tpu.memory_space<hbm>>
        %dma_start3A_34 = tpu.memref_slice %arg4[%add3A_30] : memref<100352xi32, #tpu.memory_space<hbm>> -> memref<1568xi32, #tpu.memory_space<hbm>>
        tpu.enqueue_dma source(%dma_start3A_34 : memref<1568xi32, #tpu.memory_space<hbm>>) target(%arg12 : memref<1568xi32, #tpu.memory_space<vmem>>) target_semaphore(%run_scoped3A : memref<!tpu.dma_semaphore, #tpu.memory_space<semaphore_mem>>)
        %dma_wait3A_35 = tpu.memref_slice %arg4[%add3A_30] : memref<100352xi32, #tpu.memory_space<hbm>> -> memref<1568xi32, #tpu.memory_space<hbm>>
        %dma_wait3A_36 = tpu.memref_slice %arg4[%add3A_30] : memref<100352xi32, #tpu.memory_space<hbm>> -> memref<1568xi32, #tpu.memory_space<hbm>>
        tpu.wait_dma2 semaphore(%run_scoped3A : memref<!tpu.dma_semaphore, #tpu.memory_space<semaphore_mem>>) src(%dma_wait3A_36 : memref<1568xi32, #tpu.memory_space<hbm>>) dst(%arg12 : memref<1568xi32, #tpu.memory_space<vmem>>)
        tpu.yield
      }) : () -> ()
      %dma_start3A = arith.constant 0 : i32
      %dma_start3A_31 = tpu.memref_slice %arg9[%dma_start3A] : memref<263168xi32, #tpu.memory_space<vmem_shared>> -> memref<263168xi32, #tpu.memory_space<vmem_shared>>
      tpu.enqueue_indirect_dma source(%arg12 : memref<1568xi32, #tpu.memory_space<vmem>>) target(%dma_start3A_31 : memref<263168xi32, #tpu.memory_space<vmem_shared>>) offsets(%arg11 : memref<1568xi32, #tpu.memory_space<vmem>>) semaphore(%arg17 : memref<!tpu.dma_semaphore, #tpu.memory_space<semaphore_mem>>)
      %dma_wait3A = arith.constant 0 : i32
      %dma_wait3A_32 = tpu.memref_slice %arg9[%dma_wait3A] : memref<263168xi32, #tpu.memory_space<vmem_shared>> -> memref<263168xi32, #tpu.memory_space<vmem_shared>>
      tpu.wait_indirect_dma semaphore(%arg17 : memref<!tpu.dma_semaphore, #tpu.memory_space<semaphore_mem>>) src(%arg12 : memref<1568xi32, #tpu.memory_space<vmem>>) dst(%dma_wait3A_32 : memref<263168xi32, #tpu.memory_space<vmem_shared>>)
    }
    %scan3A_17 = arith.constant 4 : i32
    %barrier3A_18 = arith.constant 0 : index
    tpu.barrier barrier_id(%barrier3A_18)
    %scan3A_19 = arith.constant 0 : i32
    %scan3A_20 = arith.constant 0 : i32
    %scan3A_21 = arith.constant 331 : i32
    %scan3A_22 = arith.addi %scan3A_20, %scan3A_21 : i32
    %scan3A_23 = arith.constant 1 : i32
    scf.for %scan3A_25 = %scan3A_20 to %scan3A_22 step %scan3A_23  : i32 {
      %mul3A_26 = arith.constant 32 : i32
      %mul3A_27 = arith.muli %scan3A_25, %mul3A_26 : i32
      %add3A_28 = arith.addi %add3A, %mul3A_27 : i32
      %lt3A = arith.constant 10584 : i32
      %lt3A_29 = arith.cmpi slt, %add3A_28, %lt3A : i32
      %convert_element_type3A = arith.extui %lt3A_29 : i1 to i32
      %cond3A = arith.constant 0 : i32
      %cond3A_30 = arith.cmpi ne, %convert_element_type3A, %cond3A : i32
      scf.if %cond3A_30 {
        %mul3A_31 = arith.constant 256 : i32
        %mul3A_32 = arith.muli %add3A_28, %mul3A_31 : i32
        "tpu.region"() ({
          %run_scoped3A = tpu.sem_alloc : memref<!tpu.dma_semaphore, #tpu.memory_space<semaphore_mem>>
          %dma_start3A_51 = tpu.memref_slice %arg2[%mul3A_32] : memref<2709504xi32, #tpu.memory_space<hbm>> -> memref<256xi32, #tpu.memory_space<hbm>>
          %dma_start3A_52 = tpu.memref_slice %arg2[%mul3A_32] : memref<2709504xi32, #tpu.memory_space<hbm>> -> memref<256xi32, #tpu.memory_space<hbm>>
          tpu.enqueue_dma source(%dma_start3A_52 : memref<256xi32, #tpu.memory_space<hbm>>) target(%arg13 : memref<256xi32, #tpu.memory_space<vmem>>) target_semaphore(%run_scoped3A : memref<!tpu.dma_semaphore, #tpu.memory_space<semaphore_mem>>)
          %dma_wait3A_53 = tpu.memref_slice %arg2[%mul3A_32] : memref<2709504xi32, #tpu.memory_space<hbm>> -> memref<256xi32, #tpu.memory_space<hbm>>
          %dma_wait3A_54 = tpu.memref_slice %arg2[%mul3A_32] : memref<2709504xi32, #tpu.memory_space<hbm>> -> memref<256xi32, #tpu.memory_space<hbm>>
          tpu.wait_dma2 semaphore(%run_scoped3A : memref<!tpu.dma_semaphore, #tpu.memory_space<semaphore_mem>>) src(%dma_wait3A_54 : memref<256xi32, #tpu.memory_space<hbm>>) dst(%arg13 : memref<256xi32, #tpu.memory_space<vmem>>)
          tpu.yield
        }) : () -> ()
        %dma_start3A = arith.constant 0 : i32
        %dma_start3A_33 = tpu.memref_slice %arg9[%dma_start3A] : memref<263168xi32, #tpu.memory_space<vmem_shared>> -> memref<263168xi32, #tpu.memory_space<vmem_shared>>
        tpu.enqueue_indirect_dma source(%dma_start3A_33 : memref<263168xi32, #tpu.memory_space<vmem_shared>>) target(%arg14 : memref<256xi32, #tpu.memory_space<vmem>>) offsets(%arg13 : memref<256xi32, #tpu.memory_space<vmem>>) semaphore(%arg17 : memref<!tpu.dma_semaphore, #tpu.memory_space<semaphore_mem>>)
        %dma_wait3A = arith.constant 0 : i32
        %dma_wait3A_34 = tpu.memref_slice %arg9[%dma_wait3A] : memref<263168xi32, #tpu.memory_space<vmem_shared>> -> memref<263168xi32, #tpu.memory_space<vmem_shared>>
        tpu.wait_indirect_dma semaphore(%arg17 : memref<!tpu.dma_semaphore, #tpu.memory_space<semaphore_mem>>) src(%dma_wait3A_34 : memref<263168xi32, #tpu.memory_space<vmem_shared>>) dst(%arg14 : memref<256xi32, #tpu.memory_space<vmem>>)
        %dma_start3A_35 = arith.constant 0 : i32
        %dma_start3A_36 = arith.constant 0 : i32
        %dma_start3A_37 = tpu.memref_slice %arg10[%dma_start3A_35, %dma_start3A_36] : memref<100864x16xi32, #tpu.memory_space<vmem_shared>> -> memref<100864x16xi32, #tpu.memory_space<vmem_shared>>
        tpu.enqueue_indirect_dma source(%dma_start3A_37 : memref<100864x16xi32, #tpu.memory_space<vmem_shared>>) target(%arg15 : memref<256x16xi32, #tpu.memory_space<vmem>>) offsets(%arg14 : memref<256xi32, #tpu.memory_space<vmem>>) semaphore(%arg17 : memref<!tpu.dma_semaphore, #tpu.memory_space<semaphore_mem>>)
        %dma_wait3A_38 = arith.constant 0 : i32
        %dma_wait3A_39 = arith.constant 0 : i32
        %dma_wait3A_40 = tpu.memref_slice %arg10[%dma_wait3A_38, %dma_wait3A_39] : memref<100864x16xi32, #tpu.memory_space<vmem_shared>> -> memref<100864x16xi32, #tpu.memory_space<vmem_shared>>
        tpu.wait_indirect_dma semaphore(%arg17 : memref<!tpu.dma_semaphore, #tpu.memory_space<semaphore_mem>>) src(%dma_wait3A_40 : memref<100864x16xi32, #tpu.memory_space<vmem_shared>>) dst(%arg15 : memref<256x16xi32, #tpu.memory_space<vmem>>)
        %mul3A_41 = arith.constant 256 : i32
        %mul3A_42 = arith.muli %add3A_28, %mul3A_41 : i32
        "tpu.region"() ({
          %run_scoped3A = tpu.sem_alloc : memref<!tpu.dma_semaphore, #tpu.memory_space<semaphore_mem>>
          %dma_start3A_51 = tpu.memref_slice %arg7[%mul3A_42] : memref<2709504xi32, #tpu.memory_space<hbm>> -> memref<256xi32, #tpu.memory_space<hbm>>
          %dma_start3A_52 = tpu.memref_slice %arg7[%mul3A_42] : memref<2709504xi32, #tpu.memory_space<hbm>> -> memref<256xi32, #tpu.memory_space<hbm>>
          tpu.enqueue_dma source(%arg14 : memref<256xi32, #tpu.memory_space<vmem>>) target(%dma_start3A_52 : memref<256xi32, #tpu.memory_space<hbm>>) target_semaphore(%run_scoped3A : memref<!tpu.dma_semaphore, #tpu.memory_space<semaphore_mem>>)
          %dma_wait3A_53 = tpu.memref_slice %arg7[%mul3A_42] : memref<2709504xi32, #tpu.memory_space<hbm>> -> memref<256xi32, #tpu.memory_space<hbm>>
          %dma_wait3A_54 = tpu.memref_slice %arg7[%mul3A_42] : memref<2709504xi32, #tpu.memory_space<hbm>> -> memref<256xi32, #tpu.memory_space<hbm>>
          tpu.wait_dma2 semaphore(%run_scoped3A : memref<!tpu.dma_semaphore, #tpu.memory_space<semaphore_mem>>) src(%arg14 : memref<256xi32, #tpu.memory_space<vmem>>) dst(%dma_wait3A_54 : memref<256xi32, #tpu.memory_space<hbm>>)
          tpu.yield
        }) : () -> ()
        %scan3A_43 = arith.constant 0 : i32
        %scan3A_44 = arith.constant 0 : i32
        %scan3A_45 = arith.constant 32 : i32
        %scan3A_46 = arith.addi %scan3A_44, %scan3A_45 : i32
        %scan3A_47 = arith.constant 1 : i32
        scf.for %scan3A_51 = %scan3A_44 to %scan3A_46 step %scan3A_47  : i32 {
          %mul3A_52 = arith.constant 8 : i32
          %mul3A_53 = arith.muli %scan3A_51, %mul3A_52 : i32
          %add3A_54 = arith.constant 0 : i32
          %add3A_55 = arith.addi %mul3A_53, %add3A_54 : i32
          %get3A = arith.index_cast %add3A_55 : i32 to index
          %get3A_56 = arith.constant 0 : index
          %get3A_57 = tpu.vector_load %arg15[%get3A, %get3A_56] {strides = array<i32>} : memref<256x16xi32, #tpu.memory_space<vmem>>, vector<1x16xi32>,
          %get3A_58 = vector.shape_cast %get3A_57 : vector<1x16xi32> to vector<16xi32>
          %swap3A = arith.index_cast %scan3A_51 : i32 to index
          %swap3A_59 = arith.constant 0 : index
          %swap3A_60 = tpu.vector_load %arg16[%swap3A, %swap3A_59] {strides = array<i32>} : memref<32x128xi32, #tpu.memory_space<vmem>>, vector<1x16xi32>,
          %swap3A_61 = vector.shape_cast %swap3A_60 : vector<1x16xi32> to vector<16xi32>
          %swap3A_62 = vector.shape_cast %get3A_58 : vector<16xi32> to vector<1x16xi32>
          tpu.vector_store %arg16[%swap3A, %swap3A_59], %swap3A_62 {strides = array<i32>} : memref<32x128xi32, #tpu.memory_space<vmem>>, vector<1x16xi32>,
          %mul3A_63 = arith.constant 8 : i32
          %mul3A_64 = arith.muli %scan3A_51, %mul3A_63 : i32
          %add3A_65 = arith.constant 1 : i32
          %add3A_66 = arith.addi %mul3A_64, %add3A_65 : i32
          %get3A_67 = arith.index_cast %add3A_66 : i32 to index
          %get3A_68 = arith.constant 0 : index
          %get3A_69 = tpu.vector_load %arg15[%get3A_67, %get3A_68] {strides = array<i32>} : memref<256x16xi32, #tpu.memory_space<vmem>>, vector<1x16xi32>,
          %get3A_70 = vector.shape_cast %get3A_69 : vector<1x16xi32> to vector<16xi32>
          %swap3A_71 = arith.index_cast %scan3A_51 : i32 to index
          %swap3A_72 = arith.constant 16 : index
          %swap3A_73 = tpu.vector_load %arg16[%swap3A_71, %swap3A_72] {strides = array<i32>} : memref<32x128xi32, #tpu.memory_space<vmem>>, vector<1x16xi32>,
          %swap3A_74 = vector.shape_cast %swap3A_73 : vector<1x16xi32> to vector<16xi32>
          %swap3A_75 = vector.shape_cast %get3A_70 : vector<16xi32> to vector<1x16xi32>
          tpu.vector_store %arg16[%swap3A_71, %swap3A_72], %swap3A_75 {strides = array<i32>} : memref<32x128xi32, #tpu.memory_space<vmem>>, vector<1x16xi32>,
          %mul3A_76 = arith.constant 8 : i32
          %mul3A_77 = arith.muli %scan3A_51, %mul3A_76 : i32
          %add3A_78 = arith.constant 2 : i32
          %add3A_79 = arith.addi %mul3A_77, %add3A_78 : i32
          %get3A_80 = arith.index_cast %add3A_79 : i32 to index
          %get3A_81 = arith.constant 0 : index
          %get3A_82 = tpu.vector_load %arg15[%get3A_80, %get3A_81] {strides = array<i32>} : memref<256x16xi32, #tpu.memory_space<vmem>>, vector<1x16xi32>,
          %get3A_83 = vector.shape_cast %get3A_82 : vector<1x16xi32> to vector<16xi32>
          %swap3A_84 = arith.index_cast %scan3A_51 : i32 to index
          %swap3A_85 = arith.constant 32 : index
          %swap3A_86 = tpu.vector_load %arg16[%swap3A_84, %swap3A_85] {strides = array<i32>} : memref<32x128xi32, #tpu.memory_space<vmem>>, vector<1x16xi32>,
          %swap3A_87 = vector.shape_cast %swap3A_86 : vector<1x16xi32> to vector<16xi32>
          %swap3A_88 = vector.shape_cast %get3A_83 : vector<16xi32> to vector<1x16xi32>
          tpu.vector_store %arg16[%swap3A_84, %swap3A_85], %swap3A_88 {strides = array<i32>} : memref<32x128xi32, #tpu.memory_space<vmem>>, vector<1x16xi32>,
          %mul3A_89 = arith.constant 8 : i32
          %mul3A_90 = arith.muli %scan3A_51, %mul3A_89 : i32
          %add3A_91 = arith.constant 3 : i32
          %add3A_92 = arith.addi %mul3A_90, %add3A_91 : i32
          %get3A_93 = arith.index_cast %add3A_92 : i32 to index
          %get3A_94 = arith.constant 0 : index
          %get3A_95 = tpu.vector_load %arg15[%get3A_93, %get3A_94] {strides = array<i32>} : memref<256x16xi32, #tpu.memory_space<vmem>>, vector<1x16xi32>,
          %get3A_96 = vector.shape_cast %get3A_95 : vector<1x16xi32> to vector<16xi32>
          %swap3A_97 = arith.index_cast %scan3A_51 : i32 to index
          %swap3A_98 = arith.constant 48 : index
          %swap3A_99 = tpu.vector_load %arg16[%swap3A_97, %swap3A_98] {strides = array<i32>} : memref<32x128xi32, #tpu.memory_space<vmem>>, vector<1x16xi32>,
          %swap3A_100 = vector.shape_cast %swap3A_99 : vector<1x16xi32> to vector<16xi32>
          %swap3A_101 = vector.shape_cast %get3A_96 : vector<16xi32> to vector<1x16xi32>
          tpu.vector_store %arg16[%swap3A_97, %swap3A_98], %swap3A_101 {strides = array<i32>} : memref<32x128xi32, #tpu.memory_space<vmem>>, vector<1x16xi32>,
          %mul3A_102 = arith.constant 8 : i32
          %mul3A_103 = arith.muli %scan3A_51, %mul3A_102 : i32
          %add3A_104 = arith.constant 4 : i32
          %add3A_105 = arith.addi %mul3A_103, %add3A_104 : i32
          %get3A_106 = arith.index_cast %add3A_105 : i32 to index
          %get3A_107 = arith.constant 0 : index
          %get3A_108 = tpu.vector_load %arg15[%get3A_106, %get3A_107] {strides = array<i32>} : memref<256x16xi32, #tpu.memory_space<vmem>>, vector<1x16xi32>,
          %get3A_109 = vector.shape_cast %get3A_108 : vector<1x16xi32> to vector<16xi32>
          %swap3A_110 = arith.index_cast %scan3A_51 : i32 to index
          %swap3A_111 = arith.constant 64 : index
          %swap3A_112 = tpu.vector_load %arg16[%swap3A_110, %swap3A_111] {strides = array<i32>} : memref<32x128xi32, #tpu.memory_space<vmem>>, vector<1x16xi32>,
          %swap3A_113 = vector.shape_cast %swap3A_112 : vector<1x16xi32> to vector<16xi32>
          %swap3A_114 = vector.shape_cast %get3A_109 : vector<16xi32> to vector<1x16xi32>
          tpu.vector_store %arg16[%swap3A_110, %swap3A_111], %swap3A_114 {strides = array<i32>} : memref<32x128xi32, #tpu.memory_space<vmem>>, vector<1x16xi32>,
          %mul3A_115 = arith.constant 8 : i32
          %mul3A_116 = arith.muli %scan3A_51, %mul3A_115 : i32
          %add3A_117 = arith.constant 5 : i32
          %add3A_118 = arith.addi %mul3A_116, %add3A_117 : i32
          %get3A_119 = arith.index_cast %add3A_118 : i32 to index
          %get3A_120 = arith.constant 0 : index
          %get3A_121 = tpu.vector_load %arg15[%get3A_119, %get3A_120] {strides = array<i32>} : memref<256x16xi32, #tpu.memory_space<vmem>>, vector<1x16xi32>,
          %get3A_122 = vector.shape_cast %get3A_121 : vector<1x16xi32> to vector<16xi32>
          %swap3A_123 = arith.index_cast %scan3A_51 : i32 to index
          %swap3A_124 = arith.constant 80 : index
          %swap3A_125 = tpu.vector_load %arg16[%swap3A_123, %swap3A_124] {strides = array<i32>} : memref<32x128xi32, #tpu.memory_space<vmem>>, vector<1x16xi32>,
          %swap3A_126 = vector.shape_cast %swap3A_125 : vector<1x16xi32> to vector<16xi32>
          %swap3A_127 = vector.shape_cast %get3A_122 : vector<16xi32> to vector<1x16xi32>
          tpu.vector_store %arg16[%swap3A_123, %swap3A_124], %swap3A_127 {strides = array<i32>} : memref<32x128xi32, #tpu.memory_space<vmem>>, vector<1x16xi32>,
          %mul3A_128 = arith.constant 8 : i32
          %mul3A_129 = arith.muli %scan3A_51, %mul3A_128 : i32
          %add3A_130 = arith.constant 6 : i32
          %add3A_131 = arith.addi %mul3A_129, %add3A_130 : i32
          %get3A_132 = arith.index_cast %add3A_131 : i32 to index
          %get3A_133 = arith.constant 0 : index
          %get3A_134 = tpu.vector_load %arg15[%get3A_132, %get3A_133] {strides = array<i32>} : memref<256x16xi32, #tpu.memory_space<vmem>>, vector<1x16xi32>,
          %get3A_135 = vector.shape_cast %get3A_134 : vector<1x16xi32> to vector<16xi32>
          %swap3A_136 = arith.index_cast %scan3A_51 : i32 to index
          %swap3A_137 = arith.constant 96 : index
          %swap3A_138 = tpu.vector_load %arg16[%swap3A_136, %swap3A_137] {strides = array<i32>} : memref<32x128xi32, #tpu.memory_space<vmem>>, vector<1x16xi32>,
          %swap3A_139 = vector.shape_cast %swap3A_138 : vector<1x16xi32> to vector<16xi32>
          %swap3A_140 = vector.shape_cast %get3A_135 : vector<16xi32> to vector<1x16xi32>
          tpu.vector_store %arg16[%swap3A_136, %swap3A_137], %swap3A_140 {strides = array<i32>} : memref<32x128xi32, #tpu.memory_space<vmem>>, vector<1x16xi32>,
          %mul3A_141 = arith.constant 8 : i32
          %mul3A_142 = arith.muli %scan3A_51, %mul3A_141 : i32
          %add3A_143 = arith.constant 7 : i32
          %add3A_144 = arith.addi %mul3A_142, %add3A_143 : i32
          %get3A_145 = arith.index_cast %add3A_144 : i32 to index
          %get3A_146 = arith.constant 0 : index
          %get3A_147 = tpu.vector_load %arg15[%get3A_145, %get3A_146] {strides = array<i32>} : memref<256x16xi32, #tpu.memory_space<vmem>>, vector<1x16xi32>,
          %get3A_148 = vector.shape_cast %get3A_147 : vector<1x16xi32> to vector<16xi32>
          %swap3A_149 = arith.index_cast %scan3A_51 : i32 to index
          %swap3A_150 = arith.constant 112 : index
          %swap3A_151 = tpu.vector_load %arg16[%swap3A_149, %swap3A_150] {strides = array<i32>} : memref<32x128xi32, #tpu.memory_space<vmem>>, vector<1x16xi32>,
          %swap3A_152 = vector.shape_cast %swap3A_151 : vector<1x16xi32> to vector<16xi32>
          %swap3A_153 = vector.shape_cast %get3A_148 : vector<16xi32> to vector<1x16xi32>
          tpu.vector_store %arg16[%swap3A_149, %swap3A_150], %swap3A_153 {strides = array<i32>} : memref<32x128xi32, #tpu.memory_space<vmem>>, vector<1x16xi32>,
        }
        %scan3A_48 = arith.constant 32 : i32
        %mul3A_49 = arith.constant 32 : i32
        %mul3A_50 = arith.muli %add3A_28, %mul3A_49 : i32
        "tpu.region"() ({
          %run_scoped3A = tpu.sem_alloc : memref<!tpu.dma_semaphore, #tpu.memory_space<semaphore_mem>>
          %dma_start3A_51 = arith.constant 0 : i32
          %dma_start3A_52 = tpu.memref_slice %arg8[%mul3A_50, %dma_start3A_51] : memref<338688x128xi32, #tpu.memory_space<hbm>> -> memref<32x128xi32, #tpu.memory_space<hbm>>
          %dma_start3A_53 = arith.constant 0 : i32
          %dma_start3A_54 = tpu.memref_slice %arg8[%mul3A_50, %dma_start3A_53] : memref<338688x128xi32, #tpu.memory_space<hbm>> -> memref<32x128xi32, #tpu.memory_space<hbm>>
          tpu.enqueue_dma source(%arg16 : memref<32x128xi32, #tpu.memory_space<vmem>>) target(%dma_start3A_54 : memref<32x128xi32, #tpu.memory_space<hbm>>) target_semaphore(%run_scoped3A : memref<!tpu.dma_semaphore, #tpu.memory_space<semaphore_mem>>)
          %dma_wait3A_55 = arith.constant 0 : i32
          %dma_wait3A_56 = tpu.memref_slice %arg8[%mul3A_50, %dma_wait3A_55] : memref<338688x128xi32, #tpu.memory_space<hbm>> -> memref<32x128xi32, #tpu.memory_space<hbm>>
          %dma_wait3A_57 = arith.constant 0 : i32
          %dma_wait3A_58 = tpu.memref_slice %arg8[%mul3A_50, %dma_wait3A_57] : memref<338688x128xi32, #tpu.memory_space<hbm>> -> memref<32x128xi32, #tpu.memory_space<hbm>>
          tpu.wait_dma2 semaphore(%run_scoped3A : memref<!tpu.dma_semaphore, #tpu.memory_space<semaphore_mem>>) src(%arg16 : memref<32x128xi32, #tpu.memory_space<vmem>>) dst(%dma_wait3A_58 : memref<32x128xi32, #tpu.memory_space<hbm>>)
          tpu.yield
        }) : () -> ()
      } else {
      }
    }
    %scan3A_24 = arith.constant 331 : i32
    return
  }
}

#map = affine_map<(d0, d1) -> (0)>
#map1 = affine_map<(d0, d1) -> (0, 0)>
module attributes {stable_mosaic.version = 14 : i64} {
  func.func @k(%arg0: i32, %arg1: i32, %arg2: memref<2709504xi32, #tpu.memory_space<hbm>>, %arg3: memref<100864x16xi32, #tpu.memory_space<hbm>>, %arg4: memref<338688x128xi32, #tpu.memory_space<hbm>>, %arg5: memref<100864x16xi32, #tpu.memory_space<vmem_shared>>, %arg6: memref<256xi32, #tpu.memory_space<vmem>>, %arg7: memref<256x16xi32, #tpu.memory_space<vmem>>, %arg8: memref<32x128xi32, #tpu.memory_space<vmem>>, %arg9: memref<!tpu.dma_semaphore, #tpu.memory_space<semaphore_mem>>) attributes {dimension_semantics = [#tpu.dimension_semantics<core_parallel>, #tpu.dimension_semantics<subcore_parallel>], iteration_bounds = array<i64: 2, 16>, scalar_prefetch = 0 : i64, scratch_operands = 5 : i64, tpu.core_type = #tpu.core_type<sc_vector_subcore>, window_params = [{transform_indices = #map}, {transform_indices = #map1}, {transform_indices = #map1}]} {
    %mul3A = arith.constant 2 : i32
    %mul3A_0 = arith.muli %arg1, %mul3A : i32
    %add3A = arith.addi %mul3A_0, %arg0 : i32
    %scan3A = arith.constant 0 : i32
    %scan3A_1 = arith.constant 0 : i32
    %scan3A_2 = arith.constant 25 : i32
    %scan3A_3 = arith.addi %scan3A_1, %scan3A_2 : i32
    %scan3A_4 = arith.constant 1 : i32
    scf.for %scan3A_12 = %scan3A_1 to %scan3A_3 step %scan3A_4  : i32 {
      %mul3A_13 = arith.constant 16 : i32
      %mul3A_14 = arith.muli %scan3A_12, %mul3A_13 : i32
      %add3A_15 = arith.addi %arg1, %mul3A_14 : i32
      %lt3A = arith.constant 394 : i32
      %lt3A_16 = arith.cmpi slt, %add3A_15, %lt3A : i32
      %convert_element_type3A = arith.extui %lt3A_16 : i1 to i32
      %cond3A = arith.constant 0 : i32
      %cond3A_17 = arith.cmpi ne, %convert_element_type3A, %cond3A : i32
      scf.if %cond3A_17 {
        %mul3A_18 = arith.constant 256 : i32
        %mul3A_19 = arith.muli %add3A_15, %mul3A_18 : i32
        "tpu.region"() ({
          %run_scoped3A = tpu.sem_alloc : memref<!tpu.dma_semaphore, #tpu.memory_space<semaphore_mem>>
          %dma_start3A = arith.constant 0 : i32
          %dma_start3A_22 = tpu.memref_slice %arg3[%mul3A_19, %dma_start3A] : memref<100864x16xi32, #tpu.memory_space<hbm>> -> memref<256x16xi32, #tpu.memory_space<hbm>>
          %dma_start3A_23 = arith.constant 0 : i32
          %dma_start3A_24 = tpu.memref_slice %arg3[%mul3A_19, %dma_start3A_23] : memref<100864x16xi32, #tpu.memory_space<hbm>> -> memref<256x16xi32, #tpu.memory_space<hbm>>
          tpu.enqueue_dma source(%dma_start3A_24 : memref<256x16xi32, #tpu.memory_space<hbm>>) target(%arg7 : memref<256x16xi32, #tpu.memory_space<vmem>>) target_semaphore(%run_scoped3A : memref<!tpu.dma_semaphore, #tpu.memory_space<semaphore_mem>>)
          %dma_wait3A = arith.constant 0 : i32
          %dma_wait3A_25 = tpu.memref_slice %arg3[%mul3A_19, %dma_wait3A] : memref<100864x16xi32, #tpu.memory_space<hbm>> -> memref<256x16xi32, #tpu.memory_space<hbm>>
          %dma_wait3A_26 = arith.constant 0 : i32
          %dma_wait3A_27 = tpu.memref_slice %arg3[%mul3A_19, %dma_wait3A_26] : memref<100864x16xi32, #tpu.memory_space<hbm>> -> memref<256x16xi32, #tpu.memory_space<hbm>>
          tpu.wait_dma2 semaphore(%run_scoped3A : memref<!tpu.dma_semaphore, #tpu.memory_space<semaphore_mem>>) src(%dma_wait3A_27 : memref<256x16xi32, #tpu.memory_space<hbm>>) dst(%arg7 : memref<256x16xi32, #tpu.memory_space<vmem>>)
          tpu.yield
        }) : () -> ()
        %mul3A_20 = arith.constant 256 : i32
        %mul3A_21 = arith.muli %add3A_15, %mul3A_20 : i32
        "tpu.region"() ({
          %run_scoped3A = tpu.sem_alloc : memref<!tpu.dma_semaphore, #tpu.memory_space<semaphore_mem>>
          %dma_start3A = arith.constant 0 : i32
          %dma_start3A_22 = tpu.memref_slice %arg5[%mul3A_21, %dma_start3A] : memref<100864x16xi32, #tpu.memory_space<vmem_shared>> -> memref<256x16xi32, #tpu.memory_space<vmem_shared>>
          %dma_start3A_23 = arith.constant 0 : i32
          %dma_start3A_24 = tpu.memref_slice %arg5[%mul3A_21, %dma_start3A_23] : memref<100864x16xi32, #tpu.memory_space<vmem_shared>> -> memref<256x16xi32, #tpu.memory_space<vmem_shared>>
          tpu.enqueue_dma source(%arg7 : memref<256x16xi32, #tpu.memory_space<vmem>>) target(%dma_start3A_24 : memref<256x16xi32, #tpu.memory_space<vmem_shared>>) target_semaphore(%run_scoped3A : memref<!tpu.dma_semaphore, #tpu.memory_space<semaphore_mem>>)
          %dma_wait3A = arith.constant 0 : i32
          %dma_wait3A_25 = tpu.memref_slice %arg5[%mul3A_21, %dma_wait3A] : memref<100864x16xi32, #tpu.memory_space<vmem_shared>> -> memref<256x16xi32, #tpu.memory_space<vmem_shared>>
          %dma_wait3A_26 = arith.constant 0 : i32
          %dma_wait3A_27 = tpu.memref_slice %arg5[%mul3A_21, %dma_wait3A_26] : memref<100864x16xi32, #tpu.memory_space<vmem_shared>> -> memref<256x16xi32, #tpu.memory_space<vmem_shared>>
          tpu.wait_dma2 semaphore(%run_scoped3A : memref<!tpu.dma_semaphore, #tpu.memory_space<semaphore_mem>>) src(%arg7 : memref<256x16xi32, #tpu.memory_space<vmem>>) dst(%dma_wait3A_27 : memref<256x16xi32, #tpu.memory_space<vmem_shared>>)
          tpu.yield
        }) : () -> ()
      } else {
      }
    }
    %scan3A_5 = arith.constant 25 : i32
    %barrier3A = arith.constant 0 : index
    tpu.barrier barrier_id(%barrier3A)
    %scan3A_6 = arith.constant 0 : i32
    %scan3A_7 = arith.constant 0 : i32
    %scan3A_8 = arith.constant 331 : i32
    %scan3A_9 = arith.addi %scan3A_7, %scan3A_8 : i32
    %scan3A_10 = arith.constant 1 : i32
    scf.for %scan3A_12 = %scan3A_7 to %scan3A_9 step %scan3A_10  : i32 {
      %mul3A_13 = arith.constant 32 : i32
      %mul3A_14 = arith.muli %scan3A_12, %mul3A_13 : i32
      %add3A_15 = arith.addi %add3A, %mul3A_14 : i32
      %lt3A = arith.constant 10584 : i32
      %lt3A_16 = arith.cmpi slt, %add3A_15, %lt3A : i32
      %convert_element_type3A = arith.extui %lt3A_16 : i1 to i32
      %cond3A = arith.constant 0 : i32
      %cond3A_17 = arith.cmpi ne, %convert_element_type3A, %cond3A : i32
      scf.if %cond3A_17 {
        %mul3A_18 = arith.constant 256 : i32
        %mul3A_19 = arith.muli %add3A_15, %mul3A_18 : i32
        "tpu.region"() ({
          %run_scoped3A = tpu.sem_alloc : memref<!tpu.dma_semaphore, #tpu.memory_space<semaphore_mem>>
          %dma_start3A_32 = tpu.memref_slice %arg2[%mul3A_19] : memref<2709504xi32, #tpu.memory_space<hbm>> -> memref<256xi32, #tpu.memory_space<hbm>>
          %dma_start3A_33 = tpu.memref_slice %arg2[%mul3A_19] : memref<2709504xi32, #tpu.memory_space<hbm>> -> memref<256xi32, #tpu.memory_space<hbm>>
          tpu.enqueue_dma source(%dma_start3A_33 : memref<256xi32, #tpu.memory_space<hbm>>) target(%arg6 : memref<256xi32, #tpu.memory_space<vmem>>) target_semaphore(%run_scoped3A : memref<!tpu.dma_semaphore, #tpu.memory_space<semaphore_mem>>)
          %dma_wait3A_34 = tpu.memref_slice %arg2[%mul3A_19] : memref<2709504xi32, #tpu.memory_space<hbm>> -> memref<256xi32, #tpu.memory_space<hbm>>
          %dma_wait3A_35 = tpu.memref_slice %arg2[%mul3A_19] : memref<2709504xi32, #tpu.memory_space<hbm>> -> memref<256xi32, #tpu.memory_space<hbm>>
          tpu.wait_dma2 semaphore(%run_scoped3A : memref<!tpu.dma_semaphore, #tpu.memory_space<semaphore_mem>>) src(%dma_wait3A_35 : memref<256xi32, #tpu.memory_space<hbm>>) dst(%arg6 : memref<256xi32, #tpu.memory_space<vmem>>)
          tpu.yield
        }) : () -> ()
        %dma_start3A = arith.constant 0 : i32
        %dma_start3A_20 = arith.constant 0 : i32
        %dma_start3A_21 = tpu.memref_slice %arg5[%dma_start3A, %dma_start3A_20] : memref<100864x16xi32, #tpu.memory_space<vmem_shared>> -> memref<100864x16xi32, #tpu.memory_space<vmem_shared>>
        tpu.enqueue_indirect_dma source(%dma_start3A_21 : memref<100864x16xi32, #tpu.memory_space<vmem_shared>>) target(%arg7 : memref<256x16xi32, #tpu.memory_space<vmem>>) offsets(%arg6 : memref<256xi32, #tpu.memory_space<vmem>>) semaphore(%arg9 : memref<!tpu.dma_semaphore, #tpu.memory_space<semaphore_mem>>)
        %dma_wait3A = arith.constant 0 : i32
        %dma_wait3A_22 = arith.constant 0 : i32
        %dma_wait3A_23 = tpu.memref_slice %arg5[%dma_wait3A, %dma_wait3A_22] : memref<100864x16xi32, #tpu.memory_space<vmem_shared>> -> memref<100864x16xi32, #tpu.memory_space<vmem_shared>>
        tpu.wait_indirect_dma semaphore(%arg9 : memref<!tpu.dma_semaphore, #tpu.memory_space<semaphore_mem>>) src(%dma_wait3A_23 : memref<100864x16xi32, #tpu.memory_space<vmem_shared>>) dst(%arg7 : memref<256x16xi32, #tpu.memory_space<vmem>>)
        %scan3A_24 = arith.constant 0 : i32
        %scan3A_25 = arith.constant 0 : i32
        %scan3A_26 = arith.constant 32 : i32
        %scan3A_27 = arith.addi %scan3A_25, %scan3A_26 : i32
        %scan3A_28 = arith.constant 1 : i32
        scf.for %scan3A_32 = %scan3A_25 to %scan3A_27 step %scan3A_28  : i32 {
          %mul3A_33 = arith.constant 8 : i32
          %mul3A_34 = arith.muli %scan3A_32, %mul3A_33 : i32
          %add3A_35 = arith.constant 0 : i32
          %add3A_36 = arith.addi %mul3A_34, %add3A_35 : i32
          %get3A = arith.index_cast %add3A_36 : i32 to index
          %get3A_37 = arith.constant 0 : index
          %get3A_38 = tpu.vector_load %arg7[%get3A, %get3A_37] {strides = array<i32>} : memref<256x16xi32, #tpu.memory_space<vmem>>, vector<1x16xi32>,
          %get3A_39 = vector.shape_cast %get3A_38 : vector<1x16xi32> to vector<16xi32>
          %swap3A = arith.index_cast %scan3A_32 : i32 to index
          %swap3A_40 = arith.constant 0 : index
          %swap3A_41 = tpu.vector_load %arg8[%swap3A, %swap3A_40] {strides = array<i32>} : memref<32x128xi32, #tpu.memory_space<vmem>>, vector<1x16xi32>,
          %swap3A_42 = vector.shape_cast %swap3A_41 : vector<1x16xi32> to vector<16xi32>
          %swap3A_43 = vector.shape_cast %get3A_39 : vector<16xi32> to vector<1x16xi32>
          tpu.vector_store %arg8[%swap3A, %swap3A_40], %swap3A_43 {strides = array<i32>} : memref<32x128xi32, #tpu.memory_space<vmem>>, vector<1x16xi32>,
          %mul3A_44 = arith.constant 8 : i32
          %mul3A_45 = arith.muli %scan3A_32, %mul3A_44 : i32
          %add3A_46 = arith.constant 1 : i32
          %add3A_47 = arith.addi %mul3A_45, %add3A_46 : i32
          %get3A_48 = arith.index_cast %add3A_47 : i32 to index
          %get3A_49 = arith.constant 0 : index
          %get3A_50 = tpu.vector_load %arg7[%get3A_48, %get3A_49] {strides = array<i32>} : memref<256x16xi32, #tpu.memory_space<vmem>>, vector<1x16xi32>,
          %get3A_51 = vector.shape_cast %get3A_50 : vector<1x16xi32> to vector<16xi32>
          %swap3A_52 = arith.index_cast %scan3A_32 : i32 to index
          %swap3A_53 = arith.constant 16 : index
          %swap3A_54 = tpu.vector_load %arg8[%swap3A_52, %swap3A_53] {strides = array<i32>} : memref<32x128xi32, #tpu.memory_space<vmem>>, vector<1x16xi32>,
          %swap3A_55 = vector.shape_cast %swap3A_54 : vector<1x16xi32> to vector<16xi32>
          %swap3A_56 = vector.shape_cast %get3A_51 : vector<16xi32> to vector<1x16xi32>
          tpu.vector_store %arg8[%swap3A_52, %swap3A_53], %swap3A_56 {strides = array<i32>} : memref<32x128xi32, #tpu.memory_space<vmem>>, vector<1x16xi32>,
          %mul3A_57 = arith.constant 8 : i32
          %mul3A_58 = arith.muli %scan3A_32, %mul3A_57 : i32
          %add3A_59 = arith.constant 2 : i32
          %add3A_60 = arith.addi %mul3A_58, %add3A_59 : i32
          %get3A_61 = arith.index_cast %add3A_60 : i32 to index
          %get3A_62 = arith.constant 0 : index
          %get3A_63 = tpu.vector_load %arg7[%get3A_61, %get3A_62] {strides = array<i32>} : memref<256x16xi32, #tpu.memory_space<vmem>>, vector<1x16xi32>,
          %get3A_64 = vector.shape_cast %get3A_63 : vector<1x16xi32> to vector<16xi32>
          %swap3A_65 = arith.index_cast %scan3A_32 : i32 to index
          %swap3A_66 = arith.constant 32 : index
          %swap3A_67 = tpu.vector_load %arg8[%swap3A_65, %swap3A_66] {strides = array<i32>} : memref<32x128xi32, #tpu.memory_space<vmem>>, vector<1x16xi32>,
          %swap3A_68 = vector.shape_cast %swap3A_67 : vector<1x16xi32> to vector<16xi32>
          %swap3A_69 = vector.shape_cast %get3A_64 : vector<16xi32> to vector<1x16xi32>
          tpu.vector_store %arg8[%swap3A_65, %swap3A_66], %swap3A_69 {strides = array<i32>} : memref<32x128xi32, #tpu.memory_space<vmem>>, vector<1x16xi32>,
          %mul3A_70 = arith.constant 8 : i32
          %mul3A_71 = arith.muli %scan3A_32, %mul3A_70 : i32
          %add3A_72 = arith.constant 3 : i32
          %add3A_73 = arith.addi %mul3A_71, %add3A_72 : i32
          %get3A_74 = arith.index_cast %add3A_73 : i32 to index
          %get3A_75 = arith.constant 0 : index
          %get3A_76 = tpu.vector_load %arg7[%get3A_74, %get3A_75] {strides = array<i32>} : memref<256x16xi32, #tpu.memory_space<vmem>>, vector<1x16xi32>,
          %get3A_77 = vector.shape_cast %get3A_76 : vector<1x16xi32> to vector<16xi32>
          %swap3A_78 = arith.index_cast %scan3A_32 : i32 to index
          %swap3A_79 = arith.constant 48 : index
          %swap3A_80 = tpu.vector_load %arg8[%swap3A_78, %swap3A_79] {strides = array<i32>} : memref<32x128xi32, #tpu.memory_space<vmem>>, vector<1x16xi32>,
          %swap3A_81 = vector.shape_cast %swap3A_80 : vector<1x16xi32> to vector<16xi32>
          %swap3A_82 = vector.shape_cast %get3A_77 : vector<16xi32> to vector<1x16xi32>
          tpu.vector_store %arg8[%swap3A_78, %swap3A_79], %swap3A_82 {strides = array<i32>} : memref<32x128xi32, #tpu.memory_space<vmem>>, vector<1x16xi32>,
          %mul3A_83 = arith.constant 8 : i32
          %mul3A_84 = arith.muli %scan3A_32, %mul3A_83 : i32
          %add3A_85 = arith.constant 4 : i32
          %add3A_86 = arith.addi %mul3A_84, %add3A_85 : i32
          %get3A_87 = arith.index_cast %add3A_86 : i32 to index
          %get3A_88 = arith.constant 0 : index
          %get3A_89 = tpu.vector_load %arg7[%get3A_87, %get3A_88] {strides = array<i32>} : memref<256x16xi32, #tpu.memory_space<vmem>>, vector<1x16xi32>,
          %get3A_90 = vector.shape_cast %get3A_89 : vector<1x16xi32> to vector<16xi32>
          %swap3A_91 = arith.index_cast %scan3A_32 : i32 to index
          %swap3A_92 = arith.constant 64 : index
          %swap3A_93 = tpu.vector_load %arg8[%swap3A_91, %swap3A_92] {strides = array<i32>} : memref<32x128xi32, #tpu.memory_space<vmem>>, vector<1x16xi32>,
          %swap3A_94 = vector.shape_cast %swap3A_93 : vector<1x16xi32> to vector<16xi32>
          %swap3A_95 = vector.shape_cast %get3A_90 : vector<16xi32> to vector<1x16xi32>
          tpu.vector_store %arg8[%swap3A_91, %swap3A_92], %swap3A_95 {strides = array<i32>} : memref<32x128xi32, #tpu.memory_space<vmem>>, vector<1x16xi32>,
          %mul3A_96 = arith.constant 8 : i32
          %mul3A_97 = arith.muli %scan3A_32, %mul3A_96 : i32
          %add3A_98 = arith.constant 5 : i32
          %add3A_99 = arith.addi %mul3A_97, %add3A_98 : i32
          %get3A_100 = arith.index_cast %add3A_99 : i32 to index
          %get3A_101 = arith.constant 0 : index
          %get3A_102 = tpu.vector_load %arg7[%get3A_100, %get3A_101] {strides = array<i32>} : memref<256x16xi32, #tpu.memory_space<vmem>>, vector<1x16xi32>,
          %get3A_103 = vector.shape_cast %get3A_102 : vector<1x16xi32> to vector<16xi32>
          %swap3A_104 = arith.index_cast %scan3A_32 : i32 to index
          %swap3A_105 = arith.constant 80 : index
          %swap3A_106 = tpu.vector_load %arg8[%swap3A_104, %swap3A_105] {strides = array<i32>} : memref<32x128xi32, #tpu.memory_space<vmem>>, vector<1x16xi32>,
          %swap3A_107 = vector.shape_cast %swap3A_106 : vector<1x16xi32> to vector<16xi32>
          %swap3A_108 = vector.shape_cast %get3A_103 : vector<16xi32> to vector<1x16xi32>
          tpu.vector_store %arg8[%swap3A_104, %swap3A_105], %swap3A_108 {strides = array<i32>} : memref<32x128xi32, #tpu.memory_space<vmem>>, vector<1x16xi32>,
          %mul3A_109 = arith.constant 8 : i32
          %mul3A_110 = arith.muli %scan3A_32, %mul3A_109 : i32
          %add3A_111 = arith.constant 6 : i32
          %add3A_112 = arith.addi %mul3A_110, %add3A_111 : i32
          %get3A_113 = arith.index_cast %add3A_112 : i32 to index
          %get3A_114 = arith.constant 0 : index
          %get3A_115 = tpu.vector_load %arg7[%get3A_113, %get3A_114] {strides = array<i32>} : memref<256x16xi32, #tpu.memory_space<vmem>>, vector<1x16xi32>,
          %get3A_116 = vector.shape_cast %get3A_115 : vector<1x16xi32> to vector<16xi32>
          %swap3A_117 = arith.index_cast %scan3A_32 : i32 to index
          %swap3A_118 = arith.constant 96 : index
          %swap3A_119 = tpu.vector_load %arg8[%swap3A_117, %swap3A_118] {strides = array<i32>} : memref<32x128xi32, #tpu.memory_space<vmem>>, vector<1x16xi32>,
          %swap3A_120 = vector.shape_cast %swap3A_119 : vector<1x16xi32> to vector<16xi32>
          %swap3A_121 = vector.shape_cast %get3A_116 : vector<16xi32> to vector<1x16xi32>
          tpu.vector_store %arg8[%swap3A_117, %swap3A_118], %swap3A_121 {strides = array<i32>} : memref<32x128xi32, #tpu.memory_space<vmem>>, vector<1x16xi32>,
          %mul3A_122 = arith.constant 8 : i32
          %mul3A_123 = arith.muli %scan3A_32, %mul3A_122 : i32
          %add3A_124 = arith.constant 7 : i32
          %add3A_125 = arith.addi %mul3A_123, %add3A_124 : i32
          %get3A_126 = arith.index_cast %add3A_125 : i32 to index
          %get3A_127 = arith.constant 0 : index
          %get3A_128 = tpu.vector_load %arg7[%get3A_126, %get3A_127] {strides = array<i32>} : memref<256x16xi32, #tpu.memory_space<vmem>>, vector<1x16xi32>,
          %get3A_129 = vector.shape_cast %get3A_128 : vector<1x16xi32> to vector<16xi32>
          %swap3A_130 = arith.index_cast %scan3A_32 : i32 to index
          %swap3A_131 = arith.constant 112 : index
          %swap3A_132 = tpu.vector_load %arg8[%swap3A_130, %swap3A_131] {strides = array<i32>} : memref<32x128xi32, #tpu.memory_space<vmem>>, vector<1x16xi32>,
          %swap3A_133 = vector.shape_cast %swap3A_132 : vector<1x16xi32> to vector<16xi32>
          %swap3A_134 = vector.shape_cast %get3A_129 : vector<16xi32> to vector<1x16xi32>
          tpu.vector_store %arg8[%swap3A_130, %swap3A_131], %swap3A_134 {strides = array<i32>} : memref<32x128xi32, #tpu.memory_space<vmem>>, vector<1x16xi32>,
        }
        %scan3A_29 = arith.constant 32 : i32
        %mul3A_30 = arith.constant 32 : i32
        %mul3A_31 = arith.muli %add3A_15, %mul3A_30 : i32
        "tpu.region"() ({
          %run_scoped3A = tpu.sem_alloc : memref<!tpu.dma_semaphore, #tpu.memory_space<semaphore_mem>>
          %dma_start3A_32 = arith.constant 0 : i32
          %dma_start3A_33 = tpu.memref_slice %arg4[%mul3A_31, %dma_start3A_32] : memref<338688x128xi32, #tpu.memory_space<hbm>> -> memref<32x128xi32, #tpu.memory_space<hbm>>
          %dma_start3A_34 = arith.constant 0 : i32
          %dma_start3A_35 = tpu.memref_slice %arg4[%mul3A_31, %dma_start3A_34] : memref<338688x128xi32, #tpu.memory_space<hbm>> -> memref<32x128xi32, #tpu.memory_space<hbm>>
          tpu.enqueue_dma source(%arg8 : memref<32x128xi32, #tpu.memory_space<vmem>>) target(%dma_start3A_35 : memref<32x128xi32, #tpu.memory_space<hbm>>) target_semaphore(%run_scoped3A : memref<!tpu.dma_semaphore, #tpu.memory_space<semaphore_mem>>)
          %dma_wait3A_36 = arith.constant 0 : i32
          %dma_wait3A_37 = tpu.memref_slice %arg4[%mul3A_31, %dma_wait3A_36] : memref<338688x128xi32, #tpu.memory_space<hbm>> -> memref<32x128xi32, #tpu.memory_space<hbm>>
          %dma_wait3A_38 = arith.constant 0 : i32
          %dma_wait3A_39 = tpu.memref_slice %arg4[%mul3A_31, %dma_wait3A_38] : memref<338688x128xi32, #tpu.memory_space<hbm>> -> memref<32x128xi32, #tpu.memory_space<hbm>>
          tpu.wait_dma2 semaphore(%run_scoped3A : memref<!tpu.dma_semaphore, #tpu.memory_space<semaphore_mem>>) src(%arg8 : memref<32x128xi32, #tpu.memory_space<vmem>>) dst(%dma_wait3A_39 : memref<32x128xi32, #tpu.memory_space<hbm>>)
          tpu.yield
        }) : () -> ()
      } else {
      }
    }
    %scan3A_11 = arith.constant 331 : i32
    return
  }
}

module attributes {stable_mosaic.version = 14 : i64} {
  func.func @_matmul_silu_kernel(%arg0: i32, %arg1: memref<2048x432xi32, #tpu.memory_space<vmem>>, %arg2: memref<432x32xbf16, #tpu.memory_space<vmem>>, %arg3: memref<432x32xbf16, #tpu.memory_space<vmem>>, %arg4: memref<1x32xf32, #tpu.memory_space<vmem>>, %arg5: memref<2048x32xf32, #tpu.memory_space<vmem>>) attributes {dimension_semantics = [#tpu.dimension_semantics<arbitrary>], iteration_bounds = array<i64: 49>, scalar_prefetch = 0 : i64, scratch_operands = 0 : i64, tpu.core_type = #tpu.core_type<tc>, window_params = [{transform_indices = @transform_0, window_bounds = array<i64: 2048, 432>}, {pipeline_mode = #tpu.pipeline_mode<synchronous>, transform_indices = @transform_1, window_bounds = array<i64: 432, 32>}, {pipeline_mode = #tpu.pipeline_mode<synchronous>, transform_indices = @transform_2, window_bounds = array<i64: 432, 32>}, {pipeline_mode = #tpu.pipeline_mode<synchronous>, transform_indices = @transform_3, window_bounds = array<i64: 1, 32>}, {transform_indices = @transform_4, window_bounds = array<i64: 2048, 32>}]} {
    %get3A = arith.constant 0 : index
    %get3A_0 = arith.constant 0 : index
    %get3A_1 = vector.load %arg1[%get3A, %get3A_0] : memref<2048x432xi32, #tpu.memory_space<vmem>>, vector<2048x432xi32>
    %shift_left3A = arith.constant 16 : i32
    %shift_left3A_2 = vector.broadcast %shift_left3A : i32 to vector<2048x432xi32>
    %shift_left3A_3 = arith.shli %get3A_1, %shift_left3A_2 : vector<2048x432xi32>
    %bitcast_convert_type3A = tpu.bitcast %shift_left3A_3 : vector<2048x432xi32> -> vector<2048x432xf32>
    %convert_element_type3A = arith.truncf %bitcast_convert_type3A : vector<2048x432xf32> to vector<2048x432xbf16>
    %and3A = arith.constant -65536 : i32
    %and3A_4 = vector.broadcast %and3A : i32 to vector<2048x432xi32>
    %and3A_5 = arith.andi %get3A_1, %and3A_4 : vector<2048x432xi32>
    %bitcast_convert_type3A_6 = tpu.bitcast %and3A_5 : vector<2048x432xi32> -> vector<2048x432xf32>
    %convert_element_type3A_7 = arith.truncf %bitcast_convert_type3A_6 : vector<2048x432xf32> to vector<2048x432xbf16>
    %get3A_8 = arith.constant 0 : index
    %get3A_9 = arith.constant 0 : index
    %get3A_10 = vector.load %arg2[%get3A_8, %get3A_9] : memref<432x32xbf16, #tpu.memory_space<vmem>>, vector<432x32xbf16>
    %dot_general3A = arith.constant dense<0.000000e+00> : vector<2048x32xf32>
    %dot_general3A_11 = tpu.matmul %convert_element_type3A, %get3A_10, %dot_general3A {dimension_numbers = #tpu.dot_dimension_numbers<[1], [0], [0], [1], [0, 0, 1, 1], [], []>, transpose_lhs_hint = false} : vector<2048x432xbf16>, vector<432x32xbf16>, vector<2048x32xf32> -> vector<2048x32xf32>
    %get3A_12 = arith.constant 0 : index
    %get3A_13 = arith.constant 0 : index
    %get3A_14 = vector.load %arg3[%get3A_12, %get3A_13] : memref<432x32xbf16, #tpu.memory_space<vmem>>, vector<432x32xbf16>
    %dot_general3A_15 = arith.constant dense<0.000000e+00> : vector<2048x32xf32>
    %dot_general3A_16 = tpu.matmul %convert_element_type3A_7, %get3A_14, %dot_general3A_15 {dimension_numbers = #tpu.dot_dimension_numbers<[1], [0], [0], [1], [0, 0, 1, 1], [], []>, transpose_lhs_hint = false} : vector<2048x432xbf16>, vector<432x32xbf16>, vector<2048x32xf32> -> vector<2048x32xf32>
    %add3A = arith.addf %dot_general3A_11, %dot_general3A_16 : vector<2048x32xf32>
    %get3A_17 = arith.constant 0 : index
    %get3A_18 = arith.constant 0 : index
    %get3A_19 = vector.load %arg4[%get3A_17, %get3A_18] : memref<1x32xf32, #tpu.memory_space<vmem>>, vector<1x32xf32>
    %add3A_20 = vector.broadcast %get3A_19 : vector<1x32xf32> to vector<2048x32xf32>
    %add3A_21 = arith.addf %add3A, %add3A_20 : vector<2048x32xf32>
    %neg3A = arith.constant 0.000000e+00 : f32
    %neg3A_22 = vector.broadcast %neg3A : f32 to vector<2048x32xf32>
    %neg3A_23 = arith.subf %neg3A_22, %add3A_21 : vector<2048x32xf32>
    %exp3A = math.exp %neg3A_23 : vector<2048x32xf32>
    %add3A_24 = arith.constant 1.000000e+00 : f32
    %add3A_25 = vector.broadcast %add3A_24 : f32 to vector<2048x32xf32>
    %add3A_26 = arith.addf %add3A_25, %exp3A : vector<2048x32xf32>
    %div3A = arith.constant 1.000000e+00 : f32
    %div3A_27 = vector.broadcast %div3A : f32 to vector<2048x32xf32>
    %div3A_28 = arith.divf %div3A_27, %add3A_26 : vector<2048x32xf32>
    %mul3A = arith.mulf %add3A_21, %div3A_28 : vector<2048x32xf32>
    %swap3A = arith.constant 0 : index
    %swap3A_29 = arith.constant 0 : index
    %swap3A_30 = vector.load %arg5[%swap3A, %swap3A_29] : memref<2048x32xf32, #tpu.memory_space<vmem>>, vector<2048x32xf32>
    tpu.vector_store %arg5[%swap3A, %swap3A_29], %mul3A {strides = array<i32>} : memref<2048x32xf32, #tpu.memory_space<vmem>>, vector<2048x32xf32>,
    return
  }
  func.func @transform_0(%arg0: i32) -> (i32, i32) {
    %c0_i32 = arith.constant 0 : i32
    %c0_i32_0 = arith.constant 0 : i32
    return %arg0, %c0_i32 : i32, i32
  }
  func.func @transform_1(%arg0: i32) -> (i32, i32) {
    %c0_i32 = arith.constant 0 : i32
    %c0_i32_0 = arith.constant 0 : i32
    %c0_i32_1 = arith.constant 0 : i32
    return %c0_i32, %c0_i32_0 : i32, i32
  }
  func.func @transform_2(%arg0: i32) -> (i32, i32) {
    %c0_i32 = arith.constant 0 : i32
    %c0_i32_0 = arith.constant 0 : i32
    %c0_i32_1 = arith.constant 0 : i32
    return %c0_i32, %c0_i32_0 : i32, i32
  }
  func.func @transform_3(%arg0: i32) -> (i32, i32) {
    %c0_i32 = arith.constant 0 : i32
    %c0_i32_0 = arith.constant 0 : i32
    %c0_i32_1 = arith.constant 0 : i32
    return %c0_i32, %c0_i32_0 : i32, i32
  }
  func.func @transform_4(%arg0: i32) -> (i32, i32) {
    %c0_i32 = arith.constant 0 : i32
    %c0_i32_0 = arith.constant 0 : i32
    return %arg0, %c0_i32 : i32, i32
  }
}

module attributes {stable_mosaic.version = 14 : i64} {
  func.func @_matmul_silu_kernel(%arg0: i32, %arg1: memref<2048x432xi32, #tpu.memory_space<vmem>>, %arg2: memref<432x256xbf16, #tpu.memory_space<vmem>>, %arg3: memref<432x256xbf16, #tpu.memory_space<vmem>>, %arg4: memref<1x256xf32, #tpu.memory_space<vmem>>, %arg5: memref<2048x256xf32, #tpu.memory_space<vmem>>) attributes {dimension_semantics = [#tpu.dimension_semantics<arbitrary>], iteration_bounds = array<i64: 49>, scalar_prefetch = 0 : i64, scratch_operands = 0 : i64, tpu.core_type = #tpu.core_type<tc>, window_params = [{transform_indices = @transform_0, window_bounds = array<i64: 2048, 432>}, {pipeline_mode = #tpu.pipeline_mode<synchronous>, transform_indices = @transform_1, window_bounds = array<i64: 432, 256>}, {pipeline_mode = #tpu.pipeline_mode<synchronous>, transform_indices = @transform_2, window_bounds = array<i64: 432, 256>}, {pipeline_mode = #tpu.pipeline_mode<synchronous>, transform_indices = @transform_3, window_bounds = array<i64: 1, 256>}, {transform_indices = @transform_4, window_bounds = array<i64: 2048, 256>}]} {
    %get3A = arith.constant 0 : index
    %get3A_0 = arith.constant 0 : index
    %get3A_1 = vector.load %arg1[%get3A, %get3A_0] : memref<2048x432xi32, #tpu.memory_space<vmem>>, vector<2048x432xi32>
    %shift_left3A = arith.constant 16 : i32
    %shift_left3A_2 = vector.broadcast %shift_left3A : i32 to vector<2048x432xi32>
    %shift_left3A_3 = arith.shli %get3A_1, %shift_left3A_2 : vector<2048x432xi32>
    %bitcast_convert_type3A = tpu.bitcast %shift_left3A_3 : vector<2048x432xi32> -> vector<2048x432xf32>
    %convert_element_type3A = arith.truncf %bitcast_convert_type3A : vector<2048x432xf32> to vector<2048x432xbf16>
    %and3A = arith.constant -65536 : i32
    %and3A_4 = vector.broadcast %and3A : i32 to vector<2048x432xi32>
    %and3A_5 = arith.andi %get3A_1, %and3A_4 : vector<2048x432xi32>
    %bitcast_convert_type3A_6 = tpu.bitcast %and3A_5 : vector<2048x432xi32> -> vector<2048x432xf32>
    %convert_element_type3A_7 = arith.truncf %bitcast_convert_type3A_6 : vector<2048x432xf32> to vector<2048x432xbf16>
    %get3A_8 = arith.constant 0 : index
    %get3A_9 = arith.constant 0 : index
    %get3A_10 = vector.load %arg2[%get3A_8, %get3A_9] : memref<432x256xbf16, #tpu.memory_space<vmem>>, vector<432x256xbf16>
    %dot_general3A = arith.constant dense<0.000000e+00> : vector<2048x256xf32>
    %dot_general3A_11 = tpu.matmul %convert_element_type3A, %get3A_10, %dot_general3A {dimension_numbers = #tpu.dot_dimension_numbers<[1], [0], [0], [1], [0, 0, 1, 1], [], []>, transpose_lhs_hint = false} : vector<2048x432xbf16>, vector<432x256xbf16>, vector<2048x256xf32> -> vector<2048x256xf32>
    %get3A_12 = arith.constant 0 : index
    %get3A_13 = arith.constant 0 : index
    %get3A_14 = vector.load %arg3[%get3A_12, %get3A_13] : memref<432x256xbf16, #tpu.memory_space<vmem>>, vector<432x256xbf16>
    %dot_general3A_15 = arith.constant dense<0.000000e+00> : vector<2048x256xf32>
    %dot_general3A_16 = tpu.matmul %convert_element_type3A_7, %get3A_14, %dot_general3A_15 {dimension_numbers = #tpu.dot_dimension_numbers<[1], [0], [0], [1], [0, 0, 1, 1], [], []>, transpose_lhs_hint = false} : vector<2048x432xbf16>, vector<432x256xbf16>, vector<2048x256xf32> -> vector<2048x256xf32>
    %add3A = arith.addf %dot_general3A_11, %dot_general3A_16 : vector<2048x256xf32>
    %get3A_17 = arith.constant 0 : index
    %get3A_18 = arith.constant 0 : index
    %get3A_19 = vector.load %arg4[%get3A_17, %get3A_18] : memref<1x256xf32, #tpu.memory_space<vmem>>, vector<1x256xf32>
    %add3A_20 = vector.broadcast %get3A_19 : vector<1x256xf32> to vector<2048x256xf32>
    %add3A_21 = arith.addf %add3A, %add3A_20 : vector<2048x256xf32>
    %neg3A = arith.constant 0.000000e+00 : f32
    %neg3A_22 = vector.broadcast %neg3A : f32 to vector<2048x256xf32>
    %neg3A_23 = arith.subf %neg3A_22, %add3A_21 : vector<2048x256xf32>
    %exp3A = math.exp %neg3A_23 : vector<2048x256xf32>
    %add3A_24 = arith.constant 1.000000e+00 : f32
    %add3A_25 = vector.broadcast %add3A_24 : f32 to vector<2048x256xf32>
    %add3A_26 = arith.addf %add3A_25, %exp3A : vector<2048x256xf32>
    %div3A = arith.constant 1.000000e+00 : f32
    %div3A_27 = vector.broadcast %div3A : f32 to vector<2048x256xf32>
    %div3A_28 = arith.divf %div3A_27, %add3A_26 : vector<2048x256xf32>
    %mul3A = arith.mulf %add3A_21, %div3A_28 : vector<2048x256xf32>
    %swap3A = arith.constant 0 : index
    %swap3A_29 = arith.constant 0 : index
    %swap3A_30 = vector.load %arg5[%swap3A, %swap3A_29] : memref<2048x256xf32, #tpu.memory_space<vmem>>, vector<2048x256xf32>
    tpu.vector_store %arg5[%swap3A, %swap3A_29], %mul3A {strides = array<i32>} : memref<2048x256xf32, #tpu.memory_space<vmem>>, vector<2048x256xf32>,
    return
  }
  func.func @transform_0(%arg0: i32) -> (i32, i32) {
    %c0_i32 = arith.constant 0 : i32
    %c0_i32_0 = arith.constant 0 : i32
    return %arg0, %c0_i32 : i32, i32
  }
  func.func @transform_1(%arg0: i32) -> (i32, i32) {
    %c0_i32 = arith.constant 0 : i32
    %c0_i32_0 = arith.constant 0 : i32
    %c0_i32_1 = arith.constant 0 : i32
    return %c0_i32, %c0_i32_0 : i32, i32
  }
  func.func @transform_2(%arg0: i32) -> (i32, i32) {
    %c0_i32 = arith.constant 0 : i32
    %c0_i32_0 = arith.constant 0 : i32
    %c0_i32_1 = arith.constant 0 : i32
    return %c0_i32, %c0_i32_0 : i32, i32
  }
  func.func @transform_3(%arg0: i32) -> (i32, i32) {
    %c0_i32 = arith.constant 0 : i32
    %c0_i32_0 = arith.constant 0 : i32
    %c0_i32_1 = arith.constant 0 : i32
    return %c0_i32, %c0_i32_0 : i32, i32
  }
  func.func @transform_4(%arg0: i32) -> (i32, i32) {
    %c0_i32 = arith.constant 0 : i32
    %c0_i32_0 = arith.constant 0 : i32
    return %arg0, %c0_i32 : i32, i32
  }
}

</mosaic_0001>

<sc_bundles>
// kernel: kernel.6.cloned.1.call-start
scs
__scs_entry_jumppad:
0x0: {  	(pc) =	sbr.rel $0x88, $3  }
0x1: {  	(tag) =	ssettag $0x0;
	lr =	simm.s32 $0x1  }
0x2: {  	[smem:$0x3F9B] =	sst lr;
	_ =	strace $0xD0000000  }
0x3: {  	_ = 	snop  }
0x4: {  	_ = 	snop  }
0x5: {  	_ = 	snop  }
0x6: {  	_ = 	snop  }
0x7: {  	_ = 	snop  }
__scs_overlays_trampoline_lowered:
0x8: {  	[smem:$0x3FAA] =	sst s0  }
0x9: {  	[smem:$0x3FAB] =	sst s1  }
0xa: {  	[smem:$0x3FAC] =	sst s2  }
0xb: {  	[smem:$0x3FAD] =	sst s3  }
0xc: {  	[smem:$0x3FAE] =	sst s4  }
0xd: {  	[smem:$0x3FAF] =	sst s5  }
0xe: {  	[smem:$0x3FB0] =	sst s6  }
0xf: {  	[smem:$0x3FB1] =	sst s7  }
0x10: {  	[smem:$0x3FB2] =	sst s8  }
0x11: {  	[smem:$0x3FB3] =	sst s9;
	s0 =	simm.s32 @!p0 $0x0  }
0x12: {  	s1 =	sld [smem:$0x3F99];
	s0 =	simm.s32 @p0 $0x1  }
0x13: {  	[smem:$0x3FB4] =	sst s0;
	s0 =	simm.s32 @!p1 $0x0  }
0x14: {  	s2 =	sld [smem:$0x3F98];
	s0 =	simm.s32 @p1 $0x1  }
0x15: {  	[smem:$0x3FB5] =	sst s0;
	s0 =	simm.s32 @!p2 $0x0  }
0x16: {  	s3 =	sld [smem:$0x3FDB];
	s0 =	simm.s32 @p2 $0x1  }
0x17: {  	s4 =	simm.s32 $0x1BF5;
	[smem:$0x3FB7] =	sst s0  }
0x18: {  	s0 =	sld [smem:$0x3F9A];
	_ =	swait.ge [sflag:s4], $0x0  }
0x19: {  	s7 =	sld [smem:$0x3F9B]  }
0x1a: {  	s8 =	sadd.s32 $0xFFFFE003, lr  }
0x1b: {  	s9 =	sadd.s32 $0xFFFFFEF7, lr;
	s5 =	simm.s32 $0xFFFFFFFF;
	p2 =	slt.u32 s8, $0xFFFFF086  }
0x1c: {  	p1 =	slt.u32 s9, $0xF7A;
	s5 =	simm.s32 @!p2 $0x0  }
0x1d: {  	s5 =	simm.s32 @p1 $0x1;
	p0 =	seq.s32 s7, s2  }
0x1e: {  	s7 =	smul.u32 @!p0 $0xF7A, s2;
	p2 =	seq.s32 @!p0 s5, $0x0  }
0x1f: {  	s9 =	smul.u32 $0xF7A, s1;
	s8 =	simm.s32 @!p0 $0x1BF5;
	p2 =	por !p2, p0  }
0x20: {  	[sflag:s8] =	ssyncset.s32 @!p0 $0xFFFFF086;
	s6 =	sadd.s32 @!p0 s3, s7;
	s7 =	simm.s32 @!p0 $0x108  }
0x21: {  	s3 =	sadd.s32 s3, s9;
	s6 =	sadd.s32 @!p0 $0x88, s6;
	s7 =	simm.s32 @p2 $0x1082  }
0x22: {  	[simem:s7], [sflag:s8] =	dma.local @!p0 [hbm:s6], $0xF7A  }
0x23: {  	s9 =	sor.u32 $0xD0000000, s2;
	s6 =	simm.s32 $0x108;
	_ =	swait.ge @!p0 [sflag:s8], $0x0  }
0x24: {  	s3 =	sadd.s32 $0x88, s3;
	s6 =	simm.s32 @!p1 $0x1082;
	[sflag:s4] =	ssyncset.s32 $0xFFFFF086  }
0x25: {  	[simem:s6], [sflag:s4] =	dma.local [hbm:s3], $0xF7A  }
0x26: {  	[smem:$0x3F9B] =	sst s1;
	(tag) =	ssettag s2;
	_ =	strace s9  }
0x27: {  	s1 =	sld [smem:$0x3FAB]  }
0x28: {  	s2 =	sld [smem:$0x3FAC]  }
0x29: {  	s4 =	sld [smem:$0x3FAE]  }
0x2a: {  	p0 =	seq.s32 s5, $0x0;
	s5 =	sld [smem:$0x3FAF]  }
0x2b: {  	s6 =	sld [smem:$0x3FB0]  }
0x2c: {  	s7 =	sld [smem:$0x3FB1]  }
0x2d: {  	s3 =	simm.s32 $0x108;
	s8 =	sld [smem:$0x3FB2]  }
0x2e: {  	s3 =	simm.s32 @!p0 $0x1082;
	s9 =	sld [smem:$0x3FB3]  }
0x2f: {  	lr =	sadd.s32 s0, s3;
	s0 =	sld [smem:$0x3FAA]  }
0x30: {  	s3 =	sld [smem:$0x3FAD]  }
0x31: {  	[smem:$0x3FB6] =	sst s10  }
0x32: {  	s10 =	sld [smem:$0x3FB4];
	_ =	sdelay $0x3  }
0x33: {  	p0 =	seq.s32 s10, $0x1;
	s10 =	sld [smem:$0x3FB6];
	_ =	sdelay $0x3  }
0x34: {  	[smem:$0x3FB6] =	sst s10  }
0x35: {  	s10 =	sld [smem:$0x3FB5];
	_ =	sdelay $0x3  }
0x36: {  	p1 =	seq.s32 s10, $0x1;
	s10 =	sld [smem:$0x3FB6];
	_ =	sdelay $0x3  }
0x37: {  	[smem:$0x3FB6] =	sst s10  }
0x38: {  	s10 =	sld [smem:$0x3FB7]  }
0x39: {  	_ = 	snop;
	(pc) =	sbr.ind lr, $3  }
0x3a: {  	_ = 	snop  }
0x3b: {  	_ = 	snop  }
0x3c: {  	p2 =	seq.s32 s10, $0x1;
	s10 =	sld [smem:$0x3FB6]  }
0x3d: {  	_ =	shalt  }
0x3e: {  	_ =	shalt  }
0x3f: {  	_ =	shalt  }
0x40: {  	_ =	shalt  }
0x41: {  	_ =	shalt  }
0x42: {  	_ =	shalt  }
0x43: {  	_ =	shalt  }
0x44: {  	_ =	shalt  }
0x45: {  	_ =	shalt  }
0x46: {  	_ =	shalt  }
0x47: {  	_ =	shalt  }
0x48: {  	_ =	shalt  }
0x49: {  	_ =	shalt  }
0x4a: {  	_ =	shalt  }
0x4b: {  	_ =	shalt  }
0x4c: {  	_ =	shalt  }
0x4d: {  	_ =	shalt  }
0x4e: {  	_ =	shalt  }
0x4f: {  	_ =	shalt  }
0x50: {  	_ =	shalt  }
0x51: {  	_ =	shalt  }
0x52: {  	_ =	shalt  }
0x53: {  	_ =	shalt  }
0x54: {  	_ =	shalt  }
0x55: {  	_ =	shalt  }
0x56: {  	_ =	shalt  }
0x57: {  	_ =	shalt  }
0x58: {  	_ =	shalt  }
0x59: {  	_ =	shalt  }
0x5a: {  	_ =	shalt  }
0x5b: {  	_ =	shalt  }
0x5c: {  	_ =	shalt  }
0x5d: {  	_ =	shalt  }
0x5e: {  	_ =	shalt  }
0x5f: {  	_ =	shalt  }
0x60: {  	_ =	shalt  }
0x61: {  	_ =	shalt  }
0x62: {  	_ =	shalt  }
0x63: {  	_ =	shalt  }
0x64: {  	_ =	shalt  }
0x65: {  	_ =	shalt  }
0x66: {  	_ =	shalt  }
0x67: {  	_ =	shalt  }
0x68: {  	_ =	shalt  }
0x69: {  	_ =	shalt  }
0x6a: {  	_ =	shalt  }
0x6b: {  	_ =	shalt  }
0x6c: {  	_ =	shalt  }
0x6d: {  	_ =	shalt  }
0x6e: {  	_ =	shalt  }
0x6f: {  	_ =	shalt  }
0x70: {  	_ =	shalt  }
0x71: {  	_ =	shalt  }
0x72: {  	_ =	shalt  }
0x73: {  	_ =	shalt  }
0x74: {  	_ =	shalt  }
0x75: {  	_ =	shalt  }
0x76: {  	_ =	shalt  }
0x77: {  	_ =	shalt  }
0x78: {  	_ =	shalt  }
0x79: {  	_ =	shalt  }
0x7a: {  	_ =	shalt  }
0x7b: {  	_ =	shalt  }
0x7c: {  	_ =	shalt  }
0x7d: {  	_ =	shalt  }
0x7e: {  	_ =	shalt  }
0x7f: {  	_ =	shalt  }
0x80: {  	_ =	shalt  }
0x81: {  	_ =	shalt  }
0x82: {  	_ =	shalt  }
0x83: {  	_ =	shalt  }
0x84: {  	_ =	shalt  }
0x85: {  	_ =	shalt  }
0x86: {  	_ =	shalt  }
0x87: {  	_ =	shalt  }
.Lfunc_end0:
.L_simem_size_0:
called_computation.1_lowered:
.L_overlay_start_0:
0x88: {  	s2 =	sld [smem:$0x3FD9]  }
0x89: {  	s3 =	sld [smem:$0x3FFE];
	_ =	sdelay $0x1  }
0x8a: {  	s1 =	srdreg.scid  }
0x8b: {  	s0 =	sand.u32 $0x1, s1  }
0x8c: {  	s17 =	sshll.u32 s0, $0xA;
	s2 =	sadd.s32 s3, s2  }
0x8d: {  	s2 =	sadd.s32 s2, s17  }
0x8e: {  	[smem:$0x3FC2] =	sst s2  }
0x8f: {  	_ = 	snop  }
0x90: {  	s2 =	sld [smem:$0x3FD0];
	(tm) =	ssettm $0x1  }
0x91: {  	s18 =	sld [smem:$0x3FFB];
	_ =	sdelay $0x3  }
0x92: {  	_ =	strace s18  }
0x93: {  	s3 =	sld [smem:$0x3FFC];
	_ =	sdelay $0x3  }
0x94: {  	_ =	strace s3  }
0x95: {  	s3 =	sld [smem:$0x3FFD];
	_ =	sdelay $0x3  }
0x96: {  	_ =	strace s3  }
0x97: {  	_ =	strace $0x8FFFFFFF  }
0x98: {  	s19 =	sld [smem:$0x3FDB];
	_ =	sdelay $0x1  }
0x99: {  	s4 =	simm.s32 $_scs_section_size  }
0x9a: {  	s5 =	simm.s32 $_size__tile_overlayer_lowered;
	s6 =	simm.s32 $_tile_overlayer_lowered  }
0x9b: {  	s22 =	simm.s32 $0x1BFF;
	s21 =	sshll.u32 s6, $0x1;
	s3 =	sadd.s32 s4, s19  }
0x9c: {  	s7 =	simm.s32 $0x0;
	s20 =	sshll.u32 s5, $0x1;
	s5 =	sadd.s32 s21, s3  }
0x9d: {  	[timem:s7], [sflag:s22] =	dma.local [hbm:s5], s20  }
0x9e: {  	_ =	swait.ge [sflag:s22], s20  }
0x9f: {  	s4 =	ssub.s32 $0x0, s20;
	[sflag:s22] =	ssyncset.done $0x0  }
0xa0: {  	[sflag:s22] =	ssyncadd.s32 s4;
	_ =	sdelay $0x1  }
0xa1: {  	s23 =	simm.s32 $0x1B8B  }
0xa2: {  	_ =	swait.ge [sflag:s23], $0x1  }
0xa3: {  	[sflag:s23] =	ssyncset.done $0x0  }
0xa4: {  	s25 =	simm.s32 $0x1B8E;
	s24 =	sld [smem:$0x3FFE];
	[sflag:s23] =	ssyncadd.s32 $0xFFFFFFFF  }
0xa5: {  	s26 =	simm.s32 $execute0_lowered;
	[smem:$0x3FD2] =	sst s25  }
0xa6: {  	s5 =	sshll.u32 s26, $0x1;
	_ =	strace $0x80000046;
	[dreg:$0x1] =	wrdreg $0xFFFFFFFF  }
0xa7: {  	s28 =	simm.s32 $_size_execute0_lowered;
	s3 =	sadd.s32 s3, s5;
	[dreg:$0x0] =	wrdreg $0x0  }
0xa8: {  	s5 =	sshll.u32 s28, $0x1;
	[dreg:$0x2] =	wrdreg s3  }
0xa9: {  	[dreg:$0x3] =	wrdreg s5  }
0xaa: {  	[dreg:$0x4] =	wrdreg $0xC0  }
0xab: {  	_ =	task [dreg:s7], $0x5FFFF  }
0xac: {  	[dreg:$0x1] =	wrdreg $0xFFFFFFFF  }
0xad: {  	[dreg:$0x0] =	wrdreg $0x60  }
0xae: {  	[dreg:$0x2] =	wrdreg s24  }
0xaf: {  	[dreg:$0x3] =	wrdreg s2  }
0xb0: {  	[dreg:$0x4] =	wrdreg $0x0  }
0xb1: {  	[dreg:$0x5] =	wrdreg $0x40400  }
0xb2: {  	[dreg:$0x6] =	wrdreg $0x9  }
0xb3: {  	_ =	task.clear_ibuf [dreg:s7], $0x7FFFF;
	_ =	strace $0x90000046  }
0xb4: {  	s29 =	simm.s32 $0x9;
	_ =	strace $0x80000048  }
0xb5: {  	_ =	swait.ge [sflag:s29], $0x1  }
0xb6: {  	[sflag:s29] =	ssyncadd.s32 $0xFFFFFFFF  }
0xb7: {  	_ =	strace $0x90000048  }
0xb8: {  	_ =	sfence  }
0xb9: {  	s30 =	sld [smem:$0x0];
	_ =	sdelay $0x2  }
0xba: {  	s31 =	sshll.u32 s1, $0xD;
	s1 =	sshrl.u32 s1, $0x2  }
0xbb: {  	s3 =	sand.u32 $0x4000, s31;
	s1 =	sadd.s32 s1, s30  }
0xbc: {  	s0 =	sor.u32 s3, s0;
	s1 =	sshll.u32 s1, $0x11  }
0xbd: {  	s0 =	sor.u32 s1, s0  }
0xbe: {  	s0 =	sadd.s32 $0x8F2B, s0  }
0xbf: {  	[sflag:s0] =	ssyncadd.remote.s32 $0x1  }
0xc0: {  	_ =	sfence.sel $0xFFFF  }
0xc1: {  	[dreg:$0x0] =	wrdreg $0xFFFFFFFF;
	(pc) =	sbr.abs _section_cstart, $3  }
0xc2: {  	[dreg:$0x1] =	wrdreg $0xFFFFFFFF  }
0xc3: {  	_ =	task.clear_ibuf [dreg:s7], $0x2FFFF;
	_ =	strace $0x9FFFFFFF  }
0xc4: {  	(tm) =	ssettm $0x7FFFFFFF  }
0xc5: {  	_ =	shalt  }
tec
execute0_lowered:
.L_overlay_start_1:
0x0: {  	(tag) =	ssettag $0x1  }
0x1: {  	s0 =	rddreg [dreg:$0x0]  }
0x2: {  	s10 =	rddreg [dreg:$0x1]  }
0x3: {  	s1 =	rddreg [dreg:$0x2]  }
0x4: {  	s2 =	rddreg [dreg:$0x3]  }
0x5: {  	s3 =	simm.s32 $0x0;
	s6 =	srdreg.scid;
	s4 =	stileid.u32  }
0x6: {  	s28 =	simm.s32 $0x1;
	s29 =	simm.s32 $0x1D680;
	s30 =	simm.s32 $0x3  }
0x7: {  	s31 =	simm.s32 $0x100;
	[smem:$0x7FF] =	sst s3;
	s5 =	sadd.s32 $0x45800, s0  }
0x8: {  	s11 =	sadd.s32 $0x42600, s0;
	s6 =	sand.u32 $0x1, s6;
	s12 =	sadd.s32 $0x1A00, s0  }
0x9: {  	s7 =	sshll.u32 s4, $0x9;
	s15 =	smul.u32 $0x1880, s4;
	s8 =	sadd.s32 $0x98400, s0  }
0xa: {  	s23 =	sshll.u32 s4, $0x5;
	s24 =	sshll.u32 s4, $0x8;
	s25 =	sshll.u32 s4, $0xC  }
0xb: {  	_ =	strace $0x80000047;
	s9 =	ssub.s32 $0x2, s6;
	s13 =	sadd.s32 s7, s0  }
0xc: {  	s7 =	sadd.s32 $0x5C3400, s0;
	s16 =	sshrl.u32 s15, $0x3;
	s26 =	sadd.s32 $0x11200, s13  }
0xd: {  	s14 =	sshrl.u32 s9, $0x1;
	s17 =	sadd.s32 s11, s16;
	[dreg:$0x10] =	wrdreg s26  }
0xe: {  	s14 =	ssub.s32 s9, s14;
	s18 =	sadd.s32 s12, s16;
	[dreg:$0x6] =	wrdreg s17  }
0xf: {  	s19 =	sadd.s32 $0xC4, s16;
	s0 =	smax.u32 s14, $0x1;
	[dreg:$0x7] =	wrdreg s18  }
0x10: {  	s9 =	sshll.u32 s4, $0x1;
	s20 =	sadd.s32 s11, s19;
	[dreg:$0x5] =	wrdreg s0  }
0x11: {  	s21 =	sadd.s32 $0x188, s16;
	s14 =	sadd.s32 s12, s19;
	[dreg:$0x8] =	wrdreg s20  }
0x12: {  	s26 =	simm.s32 $0x620;
	s22 =	sadd.s32 s11, s21;
	[dreg:$0x9] =	wrdreg s14  }
0x13: {  	[dreg:$0xa] =	wrdreg s22;
	s14 =	sadd.s32 s12, s21;
	s0 =	sadd.s32 $0x24C, s16  }
0x14: {  	s22 =	sadd.s32 s25, s2;
	[dreg:$0xb] =	wrdreg s14;
	s11 =	sadd.s32 s11, s0  }
.Ltmp0:
0x15: {  	s0 =	sadd.s32 s12, s0;
	[dreg:$0xc] =	wrdreg s11;
	(pc) =	sbr.rel .LBB2_1-.Ltmp0, $4  }
0x16: {  	s25 =	simm.s32 $0x1D060;
	s12 =	simm.s32 $0x0;
	[dreg:$0xd] =	wrdreg s0  }
0x17: {  	s0 =	sadd.s32 s23, s10;
	s23 =	simm.s32 $0x1CA40;
	s10 =	simm.s32 $0x1D880  }
0x18: {  	s11 =	simm.s32 $0x1E880;
	[dreg:$0xe] =	wrdreg s0;
	s0 =	sadd.s32 s24, s1  }
0x19: {  	s24 =	simm.s32 $0x2;
	[dreg:$0xf] =	wrdreg s0;
	s0 =	simm.s32 $0x1D780  }
.LBB2_11:
0x1a: {  	s12 =	sadd.s32 $0x1, s12;
	s13 =	rddreg [dreg:$0x5]  }
0x1b: {  	p0 =	sne.s32 s12, s13  }
.Ltmp1:
0x1c: {  	_ = 	snop;
	(pc) =	sbr.rel @!p0 .LBB2_12-.Ltmp1, $1  }
0x1d: {  	_ =	sdelay $0x3  }
.LBB2_1:
0x1e: {  	s13 =	sadd.s32 $0x0, s4  }
0x1f: {  	s17 =	rddreg [dreg:$0xe];
	p0 =	sgt.u32 s13, $0x403  }
0x20: {  	s13 =	simm.s32 @!p0 $0x0;
	s15 =	simm.s32 @!p0 $0x1D780;
	s16 =	simm.s32 @!p0 $0x3  }
0x21: {  	[tilespmem:s15], [sflag:$0x3] =	stream.linear.gather @!p0 [hbm4b:s17+s13], $0x100, $0x38;
	[tilespmem:$0x1F880] =	vst v63  }
0x22: {  	s14 =	simm.s32 $0x20;
	s21 =	sadd.s32 $0x10, s4;
	_ =	swait.ge @!p0 [sflag:s16], $0x100  }
0x23: {  	p1 =	sgt.u32 s21, $0x403;
	[sflag:s16] =	ssyncset.done @!p0 $0x0;
	p0 =	por p0, p0  }
0x24: {  	s13 =	rddreg [dreg:$0xf];
	[sflag:s16] =	ssyncadd.s32 @!p0 $0xFFFFFF00;
	s16 =	simm.s32 @!p0 $0x2  }
0x25: {  	[spmem:s13] =	stream.linear.scatter @!p0 [tilespmem:s15], [sflag:$0x2], $0x100, $0x38;
	[tilespmem:$0x1F880] =	vst v63  }
0x26: {  	s13 =	sadd.s32 $0x1000, s13;
	s15 =	sadd.s32 $0x200, s17;
	_ =	swait.ge @!p0 [sflag:s16], $0x100  }
.LBB2_2:
0x27: {  	s17 =	simm.s32 @!p1 $0x0;
	s18 =	simm.s32 @!p1 $0x1D780;
	[sflag:s16] =	ssyncset.done @!p0 $0x0  }
0x28: {  	s19 =	smov.u32 s14;
	s20 =	smov.u32 s13;
	s14 =	sadd.s32 $0x10, s14  }
0x29: {  	s21 =	simm.s32 @!p1 $0x3;
	[sflag:s16] =	ssyncadd.s32 @!p0 $0xFFFFFF00;
	p2 =	sne.s32 s14, $0x410  }
0x2a: {  	[tilespmem:s18], [sflag:$0x3] =	stream.linear.gather @!p1 [hbm4b:s15+s17], $0x100, $0x38;
	[tilespmem:$0x1F880] =	vst v63  }
.Ltmp2:
0x2b: {  	_ =	swait.ge @!p1 [sflag:s21], $0x100;
	(pc) =	sbr.rel @p2 .LBB2_2-.Ltmp2, $4  }
0x2c: {  	s13 =	sadd.s32 $0x1000, s13;
	p0 =	por p1, p1;
	[sflag:s21] =	ssyncset.done @!p1 $0x0  }
0x2d: {  	s17 =	sadd.s32 s19, s4;
	s16 =	simm.s32 @!p0 $0x2;
	[sflag:s21] =	ssyncadd.s32 @!p0 $0xFFFFFF00  }
0x2e: {  	[spmem:s20] =	stream.linear.scatter @!p0 [tilespmem:s18], [sflag:$0x2], $0x100, $0x38;
	[tilespmem:$0x1F880] =	vst v63  }
0x2f: {  	s15 =	sadd.s32 $0x200, s15;
	p1 =	sgt.u32 s17, $0x403;
	_ =	swait.ge @!p0 [sflag:s16], $0x100  }
0x30: {  	s14 =	simm.s32 @!p1 $0x0;
	[sflag:s16] =	ssyncset.done @!p0 $0x0  }
0x31: {  	s17 =	simm.s32 @!p1 $0x1D780;
	s18 =	simm.s32 @!p1 $0x3;
	[sflag:s16] =	ssyncadd.s32 @!p0 $0xFFFFFF00  }
0x32: {  	[tilespmem:s17], [sflag:$0x3] =	stream.linear.gather @!p1 [hbm4b:s15+s14], $0x100, $0x38;
	[tilespmem:$0x1F880] =	vst v63  }
0x33: {  	_ =	swait.ge @!p1 [sflag:s18], $0x100  }
0x34: {  	p0 =	por p1, p1;
	[sflag:s18] =	ssyncset.done @!p1 $0x0  }
0x35: {  	s14 =	simm.s32 @!p0 $0x2;
	[sflag:s18] =	ssyncadd.s32 @!p0 $0xFFFFFF00  }
0x36: {  	[spmem:s13] =	stream.linear.scatter @!p0 [tilespmem:s17], [sflag:$0x2], $0x100, $0x38;
	[tilespmem:$0x1F880] =	vst v63  }
0x37: {  	_ =	swait.ge @!p0 [sflag:s14], $0x100  }
0x38: {  	s20 =	sadd.s32 $0x0, s4;
	[sflag:s14] =	ssyncset.done @!p0 $0x0  }
0x39: {  	s17 =	rddreg [dreg:$0x10];
	[sflag:s14] =	ssyncadd.s32 @!p0 $0xFFFFFF00;
	p0 =	sgt.u32 s20, $0x189  }
0x3a: {  	s13 =	simm.s32 @!p0 $0x0;
	s15 =	simm.s32 @!p0 $0x1D880;
	s16 =	simm.s32 @!p0 $0x3  }
0x3b: {  	[tilespmem:s15], [sflag:$0x3] =	stream.linear.gather @!p0 [hbm4b:s17+s13], $0x1000, $0x38;
	[tilespmem:$0x1F880] =	vst v63  }
0x3c: {  	s21 =	sadd.s32 $0x10, s4;
	_ =	swait.ge @!p0 [sflag:s16], $0x1000  }
0x3d: {  	p1 =	sgt.u32 s21, $0x189;
	[sflag:s16] =	ssyncset.done @!p0 $0x0;
	p0 =	por p0, p0  }
0x3e: {  	s14 =	simm.s32 $0x20;
	[sflag:s16] =	ssyncadd.s32 @!p0 $0xFFFFF000;
	s16 =	simm.s32 @!p0 $0x2  }
0x3f: {  	[spmem:s22] =	stream.linear.scatter @!p0 [tilespmem:s15], [sflag:$0x2], $0x1000, $0x38;
	[tilespmem:$0x1F880] =	vst v63  }
0x40: {  	s13 =	sadd.s32 $0x10000, s22;
	s15 =	sadd.s32 $0x2000, s17;
	_ =	swait.ge @!p0 [sflag:s16], $0x1000  }
.LBB2_4:
0x41: {  	s17 =	simm.s32 @!p1 $0x0;
	s18 =	simm.s32 @!p1 $0x1D880;
	[sflag:s16] =	ssyncset.done @!p0 $0x0  }
0x42: {  	s19 =	smov.u32 s14;
	s20 =	smov.u32 s13;
	s14 =	sadd.s32 $0x10, s14  }
0x43: {  	s21 =	simm.s32 @!p1 $0x3;
	[sflag:s16] =	ssyncadd.s32 @!p0 $0xFFFFF000;
	p2 =	sne.s32 s14, $0x190  }
0x44: {  	[tilespmem:s18], [sflag:$0x3] =	stream.linear.gather @!p1 [hbm4b:s15+s17], $0x1000, $0x38;
	[tilespmem:$0x1F880] =	vst v63  }
.Ltmp3:
0x45: {  	_ =	swait.ge @!p1 [sflag:s21], $0x1000;
	(pc) =	sbr.rel @p2 .LBB2_4-.Ltmp3, $4  }
0x46: {  	s13 =	sadd.s32 $0x10000, s13;
	p0 =	por p1, p1;
	[sflag:s21] =	ssyncset.done @!p1 $0x0  }
0x47: {  	s17 =	sadd.s32 s19, s4;
	s16 =	simm.s32 @!p0 $0x2;
	[sflag:s21] =	ssyncadd.s32 @!p0 $0xFFFFF000  }
0x48: {  	[spmem:s20] =	stream.linear.scatter @!p0 [tilespmem:s18], [sflag:$0x2], $0x1000, $0x38;
	[tilespmem:$0x1F880] =	vst v63  }
0x49: {  	s15 =	sadd.s32 $0x2000, s15;
	p1 =	sgt.u32 s17, $0x189;
	_ =	swait.ge @!p0 [sflag:s16], $0x1000  }
0x4a: {  	s14 =	simm.s32 @!p1 $0x0;
	[sflag:s16] =	ssyncset.done @!p0 $0x0  }
0x4b: {  	s17 =	simm.s32 @!p1 $0x1D880;
	s18 =	simm.s32 @!p1 $0x3;
	[sflag:s16] =	ssyncadd.s32 @!p0 $0xFFFFF000  }
0x4c: {  	[tilespmem:s17], [sflag:$0x3] =	stream.linear.gather @!p1 [hbm4b:s15+s14], $0x1000, $0x38;
	[tilespmem:$0x1F880] =	vst v63  }
0x4d: {  	_ =	swait.ge @!p1 [sflag:s18], $0x1000  }
0x4e: {  	p0 =	por p1, p1;
	[sflag:s18] =	ssyncset.done @!p1 $0x0  }
0x4f: {  	s14 =	simm.s32 @!p0 $0x2;
	[sflag:s18] =	ssyncadd.s32 @!p0 $0xFFFFF000  }
0x50: {  	[spmem:s13] =	stream.linear.scatter @!p0 [tilespmem:s17], [sflag:$0x2], $0x1000, $0x38;
	[tilespmem:$0x1F880] =	vst v63  }
0x51: {  	_ =	swait.ge @!p0 [sflag:s14], $0x1000  }
0x52: {  	[sflag:s14] =	ssyncset.done @!p0 $0x0  }
0x53: {  	[sflag:s14] =	ssyncadd.s32 @!p0 $0xFFFFF000  }
0x54: {  	[bflag:$0x0] =	sbarrier.arrive $0xFFFF  }
0x55: {  	s13 =	simm.s32 $0x0;
	s21 =	rddreg [dreg:$0x6]  }
0x56: {  	[tilespmem:s23], [sflag:$0x2] =	stream.linear.gather [hbm4b:s21+s13], $0x620, $0x38;
	[tilespmem:$0x1F880] =	vst v63  }
0x57: {  	_ =	swait.ge [sflag:s24], $0x620  }
0x58: {  	[sflag:s24] =	ssyncset.done $0x0  }
0x59: {  	s15 =	rddreg [dreg:$0x7];
	[sflag:s24] =	ssyncadd.s32 $0xFFFFF9E0  }
0x5a: {  	[tilespmem:s25], [sflag:$0x2] =	stream.linear.gather [hbm4b:s15+s13], $0x620, $0x38;
	[tilespmem:$0x1F880] =	vst v63  }
0x5b: {  	_ =	swait.ge [sflag:s24], $0x620  }
0x5c: {  	[sflag:s24] =	ssyncset.done $0x0  }
0x5d: {  	[sflag:s24] =	ssyncadd.s32 $0xFFFFF9E0  }
0x5e: {  	[spmem:s1] =	stream.indirect.scatter [tilespmem:s25], [sflag:$0x1], $0x1, s23, s26, $0xb8;
	[tilespmem:$0x1F880] =	vst v63  }
0x5f: {  	_ =	swait.ge [sflag:s28], $0x620  }
0x60: {  	[sflag:s28] =	ssyncset.done $0x0  }
0x61: {  	s16 =	rddreg [dreg:$0x8];
	[sflag:s28] =	ssyncadd.s32 $0xFFFFF9E0  }
0x62: {  	[tilespmem:s23], [sflag:$0x2] =	stream.linear.gather [hbm4b:s16+s13], $0x620, $0x38;
	[tilespmem:$0x1F880] =	vst v63  }
0x63: {  	_ =	swait.ge [sflag:s24], $0x620  }
0x64: {  	[sflag:s24] =	ssyncset.done $0x0  }
0x65: {  	s17 =	rddreg [dreg:$0x9];
	[sflag:s24] =	ssyncadd.s32 $0xFFFFF9E0  }
0x66: {  	[tilespmem:s25], [sflag:$0x2] =	stream.linear.gather [hbm4b:s17+s13], $0x620, $0x38;
	[tilespmem:$0x1F880] =	vst v63  }
0x67: {  	_ =	swait.ge [sflag:s24], $0x620  }
0x68: {  	[sflag:s24] =	ssyncset.done $0x0  }
0x69: {  	[sflag:s24] =	ssyncadd.s32 $0xFFFFF9E0  }
0x6a: {  	[spmem:s1] =	stream.indirect.scatter [tilespmem:s25], [sflag:$0x1], $0x1, s23, s26, $0xb8;
	[tilespmem:$0x1F880] =	vst v63  }
0x6b: {  	_ =	swait.ge [sflag:s28], $0x620  }
0x6c: {  	[sflag:s28] =	ssyncset.done $0x0  }
0x6d: {  	s18 =	rddreg [dreg:$0xa];
	[sflag:s28] =	ssyncadd.s32 $0xFFFFF9E0  }
0x6e: {  	[tilespmem:s23], [sflag:$0x2] =	stream.linear.gather [hbm4b:s18+s13], $0x620, $0x38;
	[tilespmem:$0x1F880] =	vst v63  }
0x6f: {  	_ =	swait.ge [sflag:s24], $0x620  }
0x70: {  	[sflag:s24] =	ssyncset.done $0x0  }
0x71: {  	s19 =	rddreg [dreg:$0xb];
	[sflag:s24] =	ssyncadd.s32 $0xFFFFF9E0  }
0x72: {  	[tilespmem:s25], [sflag:$0x2] =	stream.linear.gather [hbm4b:s19+s13], $0x620, $0x38;
	[tilespmem:$0x1F880] =	vst v63  }
0x73: {  	_ =	swait.ge [sflag:s24], $0x620  }
0x74: {  	[sflag:s24] =	ssyncset.done $0x0  }
0x75: {  	[sflag:s24] =	ssyncadd.s32 $0xFFFFF9E0  }
0x76: {  	[spmem:s1] =	stream.indirect.scatter [tilespmem:s25], [sflag:$0x1], $0x1, s23, s26, $0xb8;
	[tilespmem:$0x1F880] =	vst v63  }
0x77: {  	_ =	swait.ge [sflag:s28], $0x620  }
0x78: {  	[sflag:s28] =	ssyncset.done $0x0  }
0x79: {  	s20 =	rddreg [dreg:$0xc];
	[sflag:s28] =	ssyncadd.s32 $0xFFFFF9E0  }
0x7a: {  	[tilespmem:s23], [sflag:$0x2] =	stream.linear.gather [hbm4b:s20+s13], $0x620, $0x38;
	[tilespmem:$0x1F880] =	vst v63  }
0x7b: {  	_ =	swait.ge [sflag:s24], $0x620  }
0x7c: {  	[sflag:s24] =	ssyncset.done $0x0  }
0x7d: {  	s21 =	rddreg [dreg:$0xd];
	[sflag:s24] =	ssyncadd.s32 $0xFFFFF9E0  }
0x7e: {  	[tilespmem:s25], [sflag:$0x2] =	stream.linear.gather [hbm4b:s21+s13], $0x620, $0x38;
	[tilespmem:$0x1F880] =	vst v63  }
0x7f: {  	_ =	swait.ge [sflag:s24], $0x620  }
0x80: {  	[sflag:s24] =	ssyncset.done $0x0  }
0x81: {  	[sflag:s24] =	ssyncadd.s32 $0xFFFFF9E0  }
0x82: {  	[spmem:s1] =	stream.indirect.scatter [tilespmem:s25], [sflag:$0x1], $0x1, s23, s26, $0xb8;
	[tilespmem:$0x1F880] =	vst v63  }
.Ltmp4:
0x83: {  	_ =	swait.ge [sflag:s28], $0x620;
	(pc) =	sbr.rel .LBB2_6-.Ltmp4, $3  }
0x84: {  	[sflag:s28] =	ssyncset.done $0x0  }
0x85: {  	[sflag:s28] =	ssyncadd.s32 $0xFFFFF9E0  }
0x86: {  	[bflag:$0x0] =	sbarrier.arrive $0xFFFF;
	_ =	sdelay $0x1  }
.LBB2_10:
0x87: {  	s13 =	sadd.s32 $0x1, s13  }
0x88: {  	p0 =	sne.s32 s13, $0x14B  }
.Ltmp5:
0x89: {  	_ = 	snop;
	(pc) =	sbr.rel @!p0 .LBB2_11-.Ltmp5, $1  }
0x8a: {  	_ =	sdelay $0x3  }
.LBB2_6:
0x8b: {  	s14 =	sshll.u32 s13, $0x5  }
0x8c: {  	s14 =	sor.u32 s9, s14  }
0x8d: {  	p0 =	sgt.u32 s14, $0x2957  }
.Ltmp6:
0x8e: {  	_ = 	snop;
	(pc) =	sbr.rel @p0 .LBB2_10-.Ltmp6, $1  }
0x8f: {  	_ =	sdelay $0x3  }
0x90: {  	s14 =	sor.u32 s6, s14  }
0x91: {  	s15 =	sshll.u32 s14, $0x5  }
0x92: {  	s17 =	simm.s32 $0x0;
	s16 =	sadd.s32 s5, s15  }
0x93: {  	[tilespmem:s29], [sflag:$0x3] =	stream.linear.gather [hbm4b:s16+s17], $0x100, $0x38;
	[tilespmem:$0x1F880] =	vst v63  }
0x94: {  	_ =	swait.ge [sflag:s30], $0x100  }
0x95: {  	[sflag:s30] =	ssyncset.done $0x0  }
0x96: {  	[sflag:s30] =	ssyncadd.s32 $0xFFFFFF00  }
0x97: {  	[tilespmem:s0], [sflag:$0x1] =	stream.indirect.gather [spmem:s1], $0x1, s29, s31, $0xb8;
	[tilespmem:$0x1F880] =	vst v63  }
0x98: {  	_ =	swait.ge [sflag:s28], $0x100  }
0x99: {  	[sflag:s28] =	ssyncset.done $0x0  }
0x9a: {  	[sflag:s28] =	ssyncadd.s32 $0xFFFFFF00  }
0x9b: {  	[tilespmem:s10], [sflag:$0x1] =	stream.indirect.gather [spmem:s2], $0x10, s0, s31, $0xb8;
	[tilespmem:$0x1F880] =	vst v63  }
0x9c: {  	_ =	swait.ge [sflag:s28], $0x1000  }
0x9d: {  	[sflag:s28] =	ssyncset.done $0x0  }
0x9e: {  	s15 =	sadd.s32 s7, s15;
	[sflag:s28] =	ssyncadd.s32 $0xFFFFF000  }
0x9f: {  	[hbm4b:s15+s17] =	stream.linear.scatter [tilespmem:s0], [sflag:$0x3], $0x100, $0x38;
	[tilespmem:$0x1F880] =	vst v63  }
0xa0: {  	_ =	swait.ge [sflag:s30], $0x100  }
0xa1: {  	[sflag:s30] =	ssyncset.done $0x0  }
0xa2: {  	s15 =	simm.s32 $0x0;
	[sflag:s30] =	ssyncadd.s32 $0xFFFFFF00  }
0xa3: {  	v3 =	vld [tilespmem:s15+$0x1D8F0]  }
0xa4: {  	v4 =	vld [tilespmem:s15+$0x1D880]  }
0xa5: {  	v5 =	vld [tilespmem:s15+$0x1D890]  }
0xa6: {  	v2 =	vld [tilespmem:s15+$0x1D8A0]  }
0xa7: {  	v0 =	vld [tilespmem:s15+$0x1D8B0]  }
0xa8: {  	v1 =	vld [tilespmem:s15+$0x1D8C0];
	[tilespmem:s15+$0x1E8F0] =	vst v3  }
0xa9: {  	[tilespmem:s15+$0x1E880] =	vst v4;
	v3 =	vld [tilespmem:s15+$0x1D8D0]  }
0xaa: {  	s16 =	simm.s32 $0x80;
	s17 =	simm.s32 $0x400;
	[tilespmem:s15+$0x1E890] =	vst v5;
	v4 =	vld [tilespmem:s15+$0x1D8E0]  }
.LBB2_8:
0xab: {  	p0 =	sne.s32 s17, $0x3E00;
	v5 =	vld [tilespmem:s16+$0x1D8F0];
	[tilespmem:s15+$0x1E8A0] =	vst v2  }
0xac: {  	v6 =	vld [tilespmem:s16+$0x1D880];
	[tilespmem:s15+$0x1E8B0] =	vst v0  }
0xad: {  	v7 =	vld [tilespmem:s16+$0x1D890];
	[tilespmem:s15+$0x1E8C0] =	vst v1  }
.Ltmp7:
0xae: {  	v2 =	vld [tilespmem:s16+$0x1D8A0];
	[tilespmem:s15+$0x1E8D0] =	vst v3;
	(pc) =	sbr.rel @p0 .LBB2_8-.Ltmp7, $4  }
0xaf: {  	v0 =	vld [tilespmem:s16+$0x1D8B0];
	[tilespmem:s15+$0x1E8E0] =	vst v4;
	s15 =	smov.u32 s16  }
0xb0: {  	v1 =	vld [tilespmem:s15+$0x1D8C0];
	[tilespmem:s15+$0x1E8F0] =	vst v5  }
0xb1: {  	[tilespmem:s15+$0x1E880] =	vst v6;
	v3 =	vld [tilespmem:s15+$0x1D8D0]  }
0xb2: {  	s16 =	sshra.s32 s17, $0x2;
	s17 =	sadd.s32 $0x200, s17;
	[tilespmem:s15+$0x1E890] =	vst v7;
	v4 =	vld [tilespmem:s15+$0x1D8E0]  }
0xb3: {  	v5 =	vld [tilespmem:s16+$0x1D8F0];
	[tilespmem:s15+$0x1E8A0] =	vst v2  }
0xb4: {  	v2 =	vld [tilespmem:s16+$0x1D880];
	[tilespmem:s15+$0x1E8B0] =	vst v0  }
0xb5: {  	v0 =	vld [tilespmem:s16+$0x1D890];
	[tilespmem:s15+$0x1E8C0] =	vst v1  }
0xb6: {  	v1 =	vld [tilespmem:s16+$0x1D8A0];
	[tilespmem:s15+$0x1E8D0] =	vst v3  }
0xb7: {  	v3 =	vld [tilespmem:s16+$0x1D8B0];
	[tilespmem:s15+$0x1E8E0] =	vst v4  }
0xb8: {  	v4 =	vld [tilespmem:s16+$0x1D8C0];
	[tilespmem:s16+$0x1E8F0] =	vst v5  }
0xb9: {  	v62 =	vld [tilespmem:s16+$0x1D8D0];
	[tilespmem:s16+$0x1E880] =	vst v2  }
0xba: {  	v63 =	vld [tilespmem:s16+$0x1D8E0];
	[tilespmem:s16+$0x1E890] =	vst v0  }
0xbb: {  	[tilespmem:s16+$0x1E8A0] =	vst v1  }
0xbc: {  	[tilespmem:s16+$0x1E8B0] =	vst v3  }
0xbd: {  	[tilespmem:s16+$0x1E8C0] =	vst v4  }
0xbe: {  	s14 =	sshll.u32 s14, $0x9;
	[tilespmem:s16+$0x1E8D0] =	vst v62  }
.Ltmp8:
0xbf: {  	s14 =	sadd.s32 s8, s14;
	[tilespmem:s16+$0x1E8E0] =	vst v63;
	(pc) =	sbr.rel .LBB2_10-.Ltmp8, $4  }
0xc0: {  	[hbm4b:s14+s3] =	stream.linear.scatter [tilespmem:s11], [sflag:$0x2], $0x1000, $0x38;
	[tilespmem:$0x1F880] =	vst v63  }
0xc1: {  	_ =	swait.ge [sflag:s24], $0x1000  }
0xc2: {  	[sflag:s24] =	ssyncset.done $0x0  }
0xc3: {  	[sflag:s24] =	ssyncadd.s32 $0xFFFFF000  }
.LBB2_12:
0xc4: {  	_ =	sfence.sel $0x180000  }
0xc5: {  	[bflag:$0x0] =	sbarrier.arrive $0xFFFF  }
0xc6: {  	_ =	strace $0x90000047  }
0xc7: {  	[bflag:$0x2] =	sbarrier.arrive $0xFFFF  }
0xc8: {  	p0 =	sne.s32 s4, $0x0;
	s0 =	rddreg [dreg:$0x4]  }
0xc9: {  	s0 =	sadd.s32 @!p0 $0x100000, s0  }
0xca: {  	[sflag:s0] =	ssyncadd.tile.s32 @!p0 $0x1;
	_ =	shalt  }
.Lfunc_end2:
_tile_overlayer_lowered:
.L_overlay_start_2:
0xcb: {  	(tag) =	ssettag $0x2  }
0xcc: {  	s0 =	rddreg [dreg:$0x0];
	s2 =	stileid.u32  }
0xcd: {  	s1 =	rddreg [dreg:$0x1];
	p0 =	sne.s32 s2, $0x0  }
0xce: {  	s3 =	rddreg [dreg:$0x2];
	[bflag:$0x3] =	sbarrier.arrive $0xFFFF;
	s2 =	simm.s32 @!p0 $0x1C02  }
0xcf: {  	[timem:s3], [sflag:s2] =	dma.local @!p0 [hbm:s0], s1  }
0xd0: {  	s0 =	simm.s32 @!p0 $0x2  }
0xd1: {  	_ =	swait.ge @!p0 [sflag:s0], s1  }
0xd2: {  	s1 =	ssub.s32 @!p0 $0x0, s1;
	[sflag:s0] =	ssyncset.done @!p0 $0x0  }
0xd3: {  	[sflag:s0] =	ssyncadd.s32 @!p0 s1  }
0xd4: {  	[bflag:$0x3] =	sbarrier.arrive $0xFFFF  }
0xd5: {  	_ =	shalt  }

// kernel: kernel.9.cloned.1.call-start
scs
__scs_entry_jumppad:
0x0: {  	(pc) =	sbr.rel $0x88, $3  }
0x1: {  	(tag) =	ssettag $0x0;
	lr =	simm.s32 $0x1  }
0x2: {  	[smem:$0x3F9B] =	sst lr;
	_ =	strace $0xD0000000  }
0x3: {  	_ = 	snop  }
0x4: {  	_ = 	snop  }
0x5: {  	_ = 	snop  }
0x6: {  	_ = 	snop  }
0x7: {  	_ = 	snop  }
__scs_overlays_trampoline_lowered:
0x8: {  	[smem:$0x3FAA] =	sst s0  }
0x9: {  	[smem:$0x3FAB] =	sst s1  }
0xa: {  	[smem:$0x3FAC] =	sst s2  }
0xb: {  	[smem:$0x3FAD] =	sst s3  }
0xc: {  	[smem:$0x3FAE] =	sst s4  }
0xd: {  	[smem:$0x3FAF] =	sst s5  }
0xe: {  	[smem:$0x3FB0] =	sst s6  }
0xf: {  	[smem:$0x3FB1] =	sst s7  }
0x10: {  	[smem:$0x3FB2] =	sst s8  }
0x11: {  	[smem:$0x3FB3] =	sst s9;
	s0 =	simm.s32 @!p0 $0x0  }
0x12: {  	s1 =	sld [smem:$0x3F99];
	s0 =	simm.s32 @p0 $0x1  }
0x13: {  	[smem:$0x3FB4] =	sst s0;
	s0 =	simm.s32 @!p1 $0x0  }
0x14: {  	s2 =	sld [smem:$0x3F98];
	s0 =	simm.s32 @p1 $0x1  }
0x15: {  	[smem:$0x3FB5] =	sst s0;
	s0 =	simm.s32 @!p2 $0x0  }
0x16: {  	s3 =	sld [smem:$0x3FDB];
	s0 =	simm.s32 @p2 $0x1  }
0x17: {  	s4 =	simm.s32 $0x1BF5;
	[smem:$0x3FB7] =	sst s0  }
0x18: {  	s0 =	sld [smem:$0x3F9A];
	_ =	swait.ge [sflag:s4], $0x0  }
0x19: {  	s7 =	sld [smem:$0x3F9B]  }
0x1a: {  	s8 =	sadd.s32 $0xFFFFE003, lr  }
0x1b: {  	s9 =	sadd.s32 $0xFFFFFEF7, lr;
	s5 =	simm.s32 $0xFFFFFFFF;
	p2 =	slt.u32 s8, $0xFFFFF086  }
0x1c: {  	p1 =	slt.u32 s9, $0xF7A;
	s5 =	simm.s32 @!p2 $0x0  }
0x1d: {  	s5 =	simm.s32 @p1 $0x1;
	p0 =	seq.s32 s7, s2  }
0x1e: {  	s7 =	smul.u32 @!p0 $0xF7A, s2;
	p2 =	seq.s32 @!p0 s5, $0x0  }
0x1f: {  	s9 =	smul.u32 $0xF7A, s1;
	s8 =	simm.s32 @!p0 $0x1BF5;
	p2 =	por !p2, p0  }
0x20: {  	[sflag:s8] =	ssyncset.s32 @!p0 $0xFFFFF086;
	s6 =	sadd.s32 @!p0 s3, s7;
	s7 =	simm.s32 @!p0 $0x108  }
0x21: {  	s3 =	sadd.s32 s3, s9;
	s6 =	sadd.s32 @!p0 $0x88, s6;
	s7 =	simm.s32 @p2 $0x1082  }
0x22: {  	[simem:s7], [sflag:s8] =	dma.local @!p0 [hbm:s6], $0xF7A  }
0x23: {  	s9 =	sor.u32 $0xD0000000, s2;
	s6 =	simm.s32 $0x108;
	_ =	swait.ge @!p0 [sflag:s8], $0x0  }
0x24: {  	s3 =	sadd.s32 $0x88, s3;
	s6 =	simm.s32 @!p1 $0x1082;
	[sflag:s4] =	ssyncset.s32 $0xFFFFF086  }
0x25: {  	[simem:s6], [sflag:s4] =	dma.local [hbm:s3], $0xF7A  }
0x26: {  	[smem:$0x3F9B] =	sst s1;
	(tag) =	ssettag s2;
	_ =	strace s9  }
0x27: {  	s1 =	sld [smem:$0x3FAB]  }
0x28: {  	s2 =	sld [smem:$0x3FAC]  }
0x29: {  	s4 =	sld [smem:$0x3FAE]  }
0x2a: {  	p0 =	seq.s32 s5, $0x0;
	s5 =	sld [smem:$0x3FAF]  }
0x2b: {  	s6 =	sld [smem:$0x3FB0]  }
0x2c: {  	s7 =	sld [smem:$0x3FB1]  }
0x2d: {  	s3 =	simm.s32 $0x108;
	s8 =	sld [smem:$0x3FB2]  }
0x2e: {  	s3 =	simm.s32 @!p0 $0x1082;
	s9 =	sld [smem:$0x3FB3]  }
0x2f: {  	lr =	sadd.s32 s0, s3;
	s0 =	sld [smem:$0x3FAA]  }
0x30: {  	s3 =	sld [smem:$0x3FAD]  }
0x31: {  	[smem:$0x3FB6] =	sst s10  }
0x32: {  	s10 =	sld [smem:$0x3FB4];
	_ =	sdelay $0x3  }
0x33: {  	p0 =	seq.s32 s10, $0x1;
	s10 =	sld [smem:$0x3FB6];
	_ =	sdelay $0x3  }
0x34: {  	[smem:$0x3FB6] =	sst s10  }
0x35: {  	s10 =	sld [smem:$0x3FB5];
	_ =	sdelay $0x3  }
0x36: {  	p1 =	seq.s32 s10, $0x1;
	s10 =	sld [smem:$0x3FB6];
	_ =	sdelay $0x3  }
0x37: {  	[smem:$0x3FB6] =	sst s10  }
0x38: {  	s10 =	sld [smem:$0x3FB7]  }
0x39: {  	_ = 	snop;
	(pc) =	sbr.ind lr, $3  }
0x3a: {  	_ = 	snop  }
0x3b: {  	_ = 	snop  }
0x3c: {  	p2 =	seq.s32 s10, $0x1;
	s10 =	sld [smem:$0x3FB6]  }
0x3d: {  	_ =	shalt  }
0x3e: {  	_ =	shalt  }
0x3f: {  	_ =	shalt  }
0x40: {  	_ =	shalt  }
0x41: {  	_ =	shalt  }
0x42: {  	_ =	shalt  }
0x43: {  	_ =	shalt  }
0x44: {  	_ =	shalt  }
0x45: {  	_ =	shalt  }
0x46: {  	_ =	shalt  }
0x47: {  	_ =	shalt  }
0x48: {  	_ =	shalt  }
0x49: {  	_ =	shalt  }
0x4a: {  	_ =	shalt  }
0x4b: {  	_ =	shalt  }
0x4c: {  	_ =	shalt  }
0x4d: {  	_ =	shalt  }
0x4e: {  	_ =	shalt  }
0x4f: {  	_ =	shalt  }
0x50: {  	_ =	shalt  }
0x51: {  	_ =	shalt  }
0x52: {  	_ =	shalt  }
0x53: {  	_ =	shalt  }
0x54: {  	_ =	shalt  }
0x55: {  	_ =	shalt  }
0x56: {  	_ =	shalt  }
0x57: {  	_ =	shalt  }
0x58: {  	_ =	shalt  }
0x59: {  	_ =	shalt  }
0x5a: {  	_ =	shalt  }
0x5b: {  	_ =	shalt  }
0x5c: {  	_ =	shalt  }
0x5d: {  	_ =	shalt  }
0x5e: {  	_ =	shalt  }
0x5f: {  	_ =	shalt  }
0x60: {  	_ =	shalt  }
0x61: {  	_ =	shalt  }
0x62: {  	_ =	shalt  }
0x63: {  	_ =	shalt  }
0x64: {  	_ =	shalt  }
0x65: {  	_ =	shalt  }
0x66: {  	_ =	shalt  }
0x67: {  	_ =	shalt  }
0x68: {  	_ =	shalt  }
0x69: {  	_ =	shalt  }
0x6a: {  	_ =	shalt  }
0x6b: {  	_ =	shalt  }
0x6c: {  	_ =	shalt  }
0x6d: {  	_ =	shalt  }
0x6e: {  	_ =	shalt  }
0x6f: {  	_ =	shalt  }
0x70: {  	_ =	shalt  }
0x71: {  	_ =	shalt  }
0x72: {  	_ =	shalt  }
0x73: {  	_ =	shalt  }
0x74: {  	_ =	shalt  }
0x75: {  	_ =	shalt  }
0x76: {  	_ =	shalt  }
0x77: {  	_ =	shalt  }
0x78: {  	_ =	shalt  }
0x79: {  	_ =	shalt  }
0x7a: {  	_ =	shalt  }
0x7b: {  	_ =	shalt  }
0x7c: {  	_ =	shalt  }
0x7d: {  	_ =	shalt  }
0x7e: {  	_ =	shalt  }
0x7f: {  	_ =	shalt  }
0x80: {  	_ =	shalt  }
0x81: {  	_ =	shalt  }
0x82: {  	_ =	shalt  }
0x83: {  	_ =	shalt  }
0x84: {  	_ =	shalt  }
0x85: {  	_ =	shalt  }
0x86: {  	_ =	shalt  }
0x87: {  	_ =	shalt  }
.Lfunc_end0:
.L_simem_size_0:
called_computation.2_lowered:
.L_overlay_start_0:
0x88: {  	s2 =	sld [smem:$0x3FD9]  }
0x89: {  	s3 =	sld [smem:$0x3FFE];
	_ =	sdelay $0x1  }
0x8a: {  	s1 =	srdreg.scid  }
0x8b: {  	s0 =	sand.u32 $0x1, s1  }
0x8c: {  	s16 =	sshll.u32 s0, $0xA;
	s2 =	sadd.s32 s3, s2  }
0x8d: {  	s2 =	sadd.s32 s2, s16  }
0x8e: {  	[smem:$0x3FC2] =	sst s2  }
0x8f: {  	_ = 	snop  }
0x90: {  	(tm) =	ssettm $0x1  }
0x91: {  	s17 =	sld [smem:$0x3FFB];
	_ =	sdelay $0x3  }
0x92: {  	_ =	strace s17  }
0x93: {  	s2 =	sld [smem:$0x3FFC];
	_ =	sdelay $0x3  }
0x94: {  	_ =	strace s2  }
0x95: {  	s2 =	sld [smem:$0x3FFD];
	_ =	sdelay $0x3  }
0x96: {  	_ =	strace s2  }
0x97: {  	_ =	strace $0x8FFFFFFF  }
0x98: {  	s18 =	sld [smem:$0x3FDB];
	_ =	sdelay $0x1  }
0x99: {  	s19 =	simm.s32 $_scs_section_size  }
0x9a: {  	s4 =	simm.s32 $_size__tile_overlayer_lowered;
	s5 =	simm.s32 $_tile_overlayer_lowered  }
0x9b: {  	s22 =	simm.s32 $0x1BFF;
	s21 =	sshll.u32 s5, $0x1;
	s2 =	sadd.s32 s19, s18  }
0x9c: {  	s6 =	simm.s32 $0x0;
	s20 =	sshll.u32 s4, $0x1;
	s4 =	sadd.s32 s21, s2  }
0x9d: {  	[timem:s6], [sflag:s22] =	dma.local [hbm:s4], s20  }
0x9e: {  	_ =	swait.ge [sflag:s22], s20  }
0x9f: {  	s3 =	ssub.s32 $0x0, s20;
	[sflag:s22] =	ssyncset.done $0x0  }
0xa0: {  	[sflag:s22] =	ssyncadd.s32 s3;
	_ =	sdelay $0x1  }
0xa1: {  	s23 =	simm.s32 $0x1B8B  }
0xa2: {  	_ =	swait.ge [sflag:s23], $0x1  }
0xa3: {  	[sflag:s23] =	ssyncset.done $0x0  }
0xa4: {  	s25 =	simm.s32 $0x1B8E;
	s24 =	sld [smem:$0x3FFE];
	[sflag:s23] =	ssyncadd.s32 $0xFFFFFFFF  }
0xa5: {  	s26 =	simm.s32 $execute0_lowered;
	[smem:$0x3FD2] =	sst s25  }
0xa6: {  	s4 =	sshll.u32 s26, $0x1;
	_ =	strace $0x80000049;
	[dreg:$0x1] =	wrdreg $0xFFFFFFFF  }
0xa7: {  	s28 =	simm.s32 $_size_execute0_lowered;
	s2 =	sadd.s32 s2, s4;
	[dreg:$0x0] =	wrdreg $0x0  }
0xa8: {  	s4 =	sshll.u32 s28, $0x1;
	[dreg:$0x2] =	wrdreg s2  }
0xa9: {  	[dreg:$0x3] =	wrdreg s4  }
0xaa: {  	[dreg:$0x4] =	wrdreg $0xC0  }
0xab: {  	_ =	task [dreg:s6], $0x5FFFF  }
0xac: {  	[dreg:$0x1] =	wrdreg $0xFFFFFFFF  }
0xad: {  	[dreg:$0x0] =	wrdreg $0x60  }
0xae: {  	[dreg:$0x2] =	wrdreg s24  }
0xaf: {  	[dreg:$0x3] =	wrdreg $0x0  }
0xb0: {  	[dreg:$0x4] =	wrdreg $0x9  }
0xb1: {  	_ =	task.clear_ibuf [dreg:s6], $0x5FFFF;
	_ =	strace $0x90000049  }
0xb2: {  	s29 =	simm.s32 $0x9;
	_ =	strace $0x8000004B  }
0xb3: {  	_ =	swait.ge [sflag:s29], $0x1  }
0xb4: {  	[sflag:s29] =	ssyncadd.s32 $0xFFFFFFFF  }
0xb5: {  	_ =	strace $0x9000004B  }
0xb6: {  	_ =	sfence  }
0xb7: {  	s30 =	sld [smem:$0x0];
	_ =	sdelay $0x2  }
0xb8: {  	s31 =	sshll.u32 s1, $0xD;
	s1 =	sshrl.u32 s1, $0x2  }
0xb9: {  	s3 =	sand.u32 $0x4000, s31;
	s1 =	sadd.s32 s1, s30  }
0xba: {  	s0 =	sor.u32 s3, s0;
	s1 =	sshll.u32 s1, $0x11  }
0xbb: {  	s0 =	sor.u32 s1, s0  }
0xbc: {  	s0 =	sadd.s32 $0x8F2B, s0  }
0xbd: {  	[sflag:s0] =	ssyncadd.remote.s32 $0x1  }
0xbe: {  	_ =	sfence.sel $0xFFFF  }
0xbf: {  	[dreg:$0x0] =	wrdreg $0xFFFFFFFF;
	(pc) =	sbr.abs _section_cstart, $3  }
0xc0: {  	[dreg:$0x1] =	wrdreg $0xFFFFFFFF  }
0xc1: {  	_ =	task.clear_ibuf [dreg:s6], $0x2FFFF;
	_ =	strace $0x9FFFFFFF  }
0xc2: {  	(tm) =	ssettm $0x7FFFFFFF  }
0xc3: {  	_ =	shalt  }
tec
execute0_lowered:
.L_overlay_start_1:
0x0: {  	(tag) =	ssettag $0x1  }
0x1: {  	s6 =	rddreg [dreg:$0x0]  }
0x2: {  	s1 =	rddreg [dreg:$0x1]  }
0x3: {  	s0 =	rddreg [dreg:$0x2]  }
0x4: {  	s3 =	simm.s32 $0x0;
	s4 =	srdreg.scid;
	s2 =	stileid.u32  }
0x5: {  	s11 =	simm.s32 $0x18A00;
	s12 =	simm.s32 $0x3;
	s13 =	simm.s32 $0x100  }
0x6: {  	s14 =	simm.s32 $0x18B00;
	s15 =	simm.s32 $0x1;
	s16 =	simm.s32 $0x19B00  }
0x7: {  	s17 =	simm.s32 $0x2;
	s18 =	simm.s32 $0x0;
	[smem:$0x7FF] =	sst s3  }
.Ltmp0:
0x8: {  	s4 =	sand.u32 $0x1, s4;
	s7 =	sshll.u32 s2, $0x9;
	(pc) =	sbr.rel .LBB2_1-.Ltmp0, $4  }
0x9: {  	s5 =	sadd.s32 $0x5C3400, s6;
	s10 =	sshll.u32 s2, $0xC;
	s8 =	ssub.s32 $0x2, s4  }
0xa: {  	_ =	strace $0x8000004A;
	s9 =	sadd.s32 s7, s6;
	s31 =	sshrl.u32 s8, $0x1  }
0xb: {  	s6 =	sadd.s32 $0x32E00, s6;
	s7 =	sshll.u32 s2, $0x1;
	s8 =	ssub.s32 s8, s31  }
0xc: {  	s10 =	sadd.s32 s10, s1;
	s9 =	sadd.s32 $0x1A00, s9;
	s8 =	smax.u32 s8, $0x1  }
.LBB2_9:
0xd: {  	s18 =	sadd.s32 $0x1, s18  }
0xe: {  	p0 =	sne.s32 s18, s8  }
.Ltmp1:
0xf: {  	_ = 	snop;
	(pc) =	sbr.rel @!p0 .LBB2_10-.Ltmp1, $1  }
0x10: {  	_ =	sdelay $0x3  }
.LBB2_1:
0x11: {  	s19 =	sadd.s32 $0x0, s2  }
0x12: {  	p0 =	sgt.u32 s19, $0x189  }
0x13: {  	s19 =	simm.s32 @!p0 $0x0;
	s21 =	simm.s32 @!p0 $0x18B00;
	s22 =	simm.s32 @!p0 $0x3  }
0x14: {  	[tilespmem:s21], [sflag:$0x3] =	stream.linear.gather @!p0 [hbm4b:s9+s19], $0x1000, $0x38;
	[tilespmem:$0x1AB00] =	vst v63  }
0x15: {  	s20 =	simm.s32 $0x20;
	_ =	swait.ge @!p0 [sflag:s22], $0x1000  }
0x16: {  	s31 =	sadd.s32 $0x10, s2;
	[sflag:s22] =	ssyncset.done @!p0 $0x0;
	p0 =	por p0, p0  }
0x17: {  	p1 =	sgt.u32 s31, $0x189;
	[sflag:s22] =	ssyncadd.s32 @!p0 $0xFFFFF000;
	s22 =	simm.s32 @!p0 $0x2  }
0x18: {  	[spmem:s10] =	stream.linear.scatter @!p0 [tilespmem:s21], [sflag:$0x2], $0x1000, $0x38;
	[tilespmem:$0x1AB00] =	vst v63  }
0x19: {  	s19 =	sadd.s32 $0x10000, s10;
	s21 =	sadd.s32 $0x2000, s9;
	_ =	swait.ge @!p0 [sflag:s22], $0x1000  }
.LBB2_2:
0x1a: {  	s23 =	simm.s32 @!p1 $0x0;
	s24 =	simm.s32 @!p1 $0x18B00;
	[sflag:s22] =	ssyncset.done @!p0 $0x0  }
0x1b: {  	s25 =	smov.u32 s20;
	s26 =	smov.u32 s19;
	s20 =	sadd.s32 $0x10, s20  }
0x1c: {  	s28 =	simm.s32 @!p1 $0x3;
	[sflag:s22] =	ssyncadd.s32 @!p0 $0xFFFFF000;
	p2 =	sne.s32 s20, $0x190  }
0x1d: {  	[tilespmem:s24], [sflag:$0x3] =	stream.linear.gather @!p1 [hbm4b:s21+s23], $0x1000, $0x38;
	[tilespmem:$0x1AB00] =	vst v63  }
.Ltmp2:
0x1e: {  	_ =	swait.ge @!p1 [sflag:s28], $0x1000;
	(pc) =	sbr.rel @p2 .LBB2_2-.Ltmp2, $4  }
0x1f: {  	s19 =	sadd.s32 $0x10000, s19;
	p0 =	por p1, p1;
	[sflag:s28] =	ssyncset.done @!p1 $0x0  }
0x20: {  	s23 =	sadd.s32 s25, s2;
	s22 =	simm.s32 @!p0 $0x2;
	[sflag:s28] =	ssyncadd.s32 @!p0 $0xFFFFF000  }
0x21: {  	[spmem:s26] =	stream.linear.scatter @!p0 [tilespmem:s24], [sflag:$0x2], $0x1000, $0x38;
	[tilespmem:$0x1AB00] =	vst v63  }
0x22: {  	s21 =	sadd.s32 $0x2000, s21;
	p1 =	sgt.u32 s23, $0x189;
	_ =	swait.ge @!p0 [sflag:s22], $0x1000  }
0x23: {  	s20 =	simm.s32 @!p1 $0x0;
	[sflag:s22] =	ssyncset.done @!p0 $0x0  }
0x24: {  	s23 =	simm.s32 @!p1 $0x18B00;
	s24 =	simm.s32 @!p1 $0x3;
	[sflag:s22] =	ssyncadd.s32 @!p0 $0xFFFFF000  }
0x25: {  	[tilespmem:s23], [sflag:$0x3] =	stream.linear.gather @!p1 [hbm4b:s21+s20], $0x1000, $0x38;
	[tilespmem:$0x1AB00] =	vst v63  }
0x26: {  	_ =	swait.ge @!p1 [sflag:s24], $0x1000  }
0x27: {  	p0 =	por p1, p1;
	[sflag:s24] =	ssyncset.done @!p1 $0x0  }
0x28: {  	s20 =	simm.s32 @!p0 $0x2;
	[sflag:s24] =	ssyncadd.s32 @!p0 $0xFFFFF000  }
0x29: {  	[spmem:s19] =	stream.linear.scatter @!p0 [tilespmem:s23], [sflag:$0x2], $0x1000, $0x38;
	[tilespmem:$0x1AB00] =	vst v63  }
.Ltmp3:
0x2a: {  	_ =	swait.ge @!p0 [sflag:s20], $0x1000;
	(pc) =	sbr.rel .LBB2_4-.Ltmp3, $4  }
0x2b: {  	[sflag:s20] =	ssyncset.done @!p0 $0x0  }
0x2c: {  	[sflag:s20] =	ssyncadd.s32 @!p0 $0xFFFFF000  }
0x2d: {  	[bflag:$0x0] =	sbarrier.arrive $0xFFFF  }
0x2e: {  	s19 =	simm.s32 $0x0  }
.LBB2_8:
0x2f: {  	s19 =	sadd.s32 $0x1, s19  }
0x30: {  	p0 =	sne.s32 s19, $0x14B  }
.Ltmp4:
0x31: {  	_ = 	snop;
	(pc) =	sbr.rel @!p0 .LBB2_9-.Ltmp4, $1  }
0x32: {  	_ =	sdelay $0x3  }
.LBB2_4:
0x33: {  	s20 =	sshll.u32 s19, $0x5  }
0x34: {  	s20 =	sor.u32 s7, s20  }
0x35: {  	p0 =	sgt.u32 s20, $0x2957  }
.Ltmp5:
0x36: {  	_ = 	snop;
	(pc) =	sbr.rel @p0 .LBB2_8-.Ltmp5, $1  }
0x37: {  	_ =	sdelay $0x3  }
0x38: {  	s20 =	sor.u32 s4, s20  }
0x39: {  	s21 =	sshll.u32 s20, $0x5  }
0x3a: {  	s22 =	simm.s32 $0x0;
	s21 =	sadd.s32 s5, s21  }
0x3b: {  	[tilespmem:s11], [sflag:$0x3] =	stream.linear.gather [hbm4b:s21+s22], $0x100, $0x38;
	[tilespmem:$0x1AB00] =	vst v63  }
0x3c: {  	_ =	swait.ge [sflag:s12], $0x100  }
0x3d: {  	[sflag:s12] =	ssyncset.done $0x0  }
0x3e: {  	[sflag:s12] =	ssyncadd.s32 $0xFFFFFF00  }
0x3f: {  	[tilespmem:s14], [sflag:$0x1] =	stream.indirect.gather [spmem:s1], $0x10, s11, s13, $0xb8;
	[tilespmem:$0x1AB00] =	vst v63  }
0x40: {  	_ =	swait.ge [sflag:s15], $0x1000  }
0x41: {  	[sflag:s15] =	ssyncset.done $0x0  }
0x42: {  	s21 =	simm.s32 $0x0;
	[sflag:s15] =	ssyncadd.s32 $0xFFFFF000  }
0x43: {  	v3 =	vld [tilespmem:s21+$0x18B70]  }
0x44: {  	v4 =	vld [tilespmem:s21+$0x18B00]  }
0x45: {  	v5 =	vld [tilespmem:s21+$0x18B10]  }
0x46: {  	v2 =	vld [tilespmem:s21+$0x18B20]  }
0x47: {  	v0 =	vld [tilespmem:s21+$0x18B30]  }
0x48: {  	v1 =	vld [tilespmem:s21+$0x18B40];
	[tilespmem:s21+$0x19B70] =	vst v3  }
0x49: {  	[tilespmem:s21+$0x19B00] =	vst v4;
	v3 =	vld [tilespmem:s21+$0x18B50]  }
0x4a: {  	s23 =	simm.s32 $0x400;
	s22 =	simm.s32 $0x80;
	[tilespmem:s21+$0x19B10] =	vst v5;
	v4 =	vld [tilespmem:s21+$0x18B60]  }
.LBB2_6:
0x4b: {  	p0 =	sne.s32 s23, $0x3E00;
	v5 =	vld [tilespmem:s22+$0x18B70];
	[tilespmem:s21+$0x19B20] =	vst v2  }
0x4c: {  	v6 =	vld [tilespmem:s22+$0x18B00];
	[tilespmem:s21+$0x19B30] =	vst v0  }
0x4d: {  	v7 =	vld [tilespmem:s22+$0x18B10];
	[tilespmem:s21+$0x19B40] =	vst v1  }
.Ltmp6:
0x4e: {  	v2 =	vld [tilespmem:s22+$0x18B20];
	[tilespmem:s21+$0x19B50] =	vst v3;
	(pc) =	sbr.rel @p0 .LBB2_6-.Ltmp6, $4  }
0x4f: {  	v0 =	vld [tilespmem:s22+$0x18B30];
	[tilespmem:s21+$0x19B60] =	vst v4;
	s21 =	smov.u32 s22  }
0x50: {  	v1 =	vld [tilespmem:s21+$0x18B40];
	[tilespmem:s21+$0x19B70] =	vst v5  }
0x51: {  	[tilespmem:s21+$0x19B00] =	vst v6;
	v3 =	vld [tilespmem:s21+$0x18B50]  }
0x52: {  	s22 =	sshra.s32 s23, $0x2;
	s23 =	sadd.s32 $0x200, s23;
	[tilespmem:s21+$0x19B10] =	vst v7;
	v4 =	vld [tilespmem:s21+$0x18B60]  }
0x53: {  	v5 =	vld [tilespmem:s22+$0x18B70];
	[tilespmem:s21+$0x19B20] =	vst v2  }
0x54: {  	v2 =	vld [tilespmem:s22+$0x18B00];
	[tilespmem:s21+$0x19B30] =	vst v0  }
0x55: {  	v0 =	vld [tilespmem:s22+$0x18B10];
	[tilespmem:s21+$0x19B40] =	vst v1  }
0x56: {  	v1 =	vld [tilespmem:s22+$0x18B20];
	[tilespmem:s21+$0x19B50] =	vst v3  }
0x57: {  	v3 =	vld [tilespmem:s22+$0x18B30];
	[tilespmem:s21+$0x19B60] =	vst v4  }
0x58: {  	v4 =	vld [tilespmem:s22+$0x18B40];
	[tilespmem:s22+$0x19B70] =	vst v5  }
0x59: {  	v62 =	vld [tilespmem:s22+$0x18B50];
	[tilespmem:s22+$0x19B00] =	vst v2  }
0x5a: {  	v63 =	vld [tilespmem:s22+$0x18B60];
	[tilespmem:s22+$0x19B10] =	vst v0  }
0x5b: {  	[tilespmem:s22+$0x19B20] =	vst v1  }
0x5c: {  	[tilespmem:s22+$0x19B30] =	vst v3  }
0x5d: {  	[tilespmem:s22+$0x19B40] =	vst v4  }
0x5e: {  	s20 =	sshll.u32 s20, $0x9;
	[tilespmem:s22+$0x19B50] =	vst v62  }
.Ltmp7:
0x5f: {  	s20 =	sadd.s32 s6, s20;
	[tilespmem:s22+$0x19B60] =	vst v63;
	(pc) =	sbr.rel .LBB2_8-.Ltmp7, $4  }
0x60: {  	[hbm4b:s20+s3] =	stream.linear.scatter [tilespmem:s16], [sflag:$0x2], $0x1000, $0x38;
	[tilespmem:$0x1AB00] =	vst v63  }
0x61: {  	_ =	swait.ge [sflag:s17], $0x1000  }
0x62: {  	[sflag:s17] =	ssyncset.done $0x0  }
0x63: {  	[sflag:s17] =	ssyncadd.s32 $0xFFFFF000  }
.LBB2_10:
0x64: {  	_ =	sfence.sel $0x180000  }
0x65: {  	[bflag:$0x0] =	sbarrier.arrive $0xFFFF  }
0x66: {  	p0 =	sne.s32 s2, $0x0;
	_ =	strace $0x9000004A  }
0x67: {  	s0 =	sadd.s32 @!p0 $0x100000, s0;
	[bflag:$0x2] =	sbarrier.arrive $0xFFFF  }
0x68: {  	[sflag:s0] =	ssyncadd.tile.s32 @!p0 $0x1;
	_ =	shalt  }
.Lfunc_end2:
_tile_overlayer_lowered:
.L_overlay_start_2:
0x69: {  	(tag) =	ssettag $0x2  }
0x6a: {  	s0 =	rddreg [dreg:$0x0];
	s2 =	stileid.u32  }
0x6b: {  	s1 =	rddreg [dreg:$0x1];
	p0 =	sne.s32 s2, $0x0  }
0x6c: {  	s3 =	rddreg [dreg:$0x2];
	[bflag:$0x3] =	sbarrier.arrive $0xFFFF;
	s2 =	simm.s32 @!p0 $0x1C02  }
0x6d: {  	[timem:s3], [sflag:s2] =	dma.local @!p0 [hbm:s0], s1  }
0x6e: {  	s0 =	simm.s32 @!p0 $0x2  }
0x6f: {  	_ =	swait.ge @!p0 [sflag:s0], s1  }
0x70: {  	s1 =	ssub.s32 @!p0 $0x0, s1;
	[sflag:s0] =	ssyncset.done @!p0 $0x0  }
0x71: {  	[sflag:s0] =	ssyncadd.s32 @!p0 s1  }
0x72: {  	[bflag:$0x3] =	sbarrier.arrive $0xFFFF  }
0x73: {  	_ =	shalt  }

// kernel: sparse-core-data-format-call.cloned.1.call-start
scs
called_computation_lowered:
.L_overlay_start_0:
0x0: {  	s2 =	sld [smem:$0x3FD9]  }
0x1: {  	s3 =	sld [smem:$0x3FFE];
	_ =	sdelay $0x1  }
0x2: {  	s1 =	srdreg.scid  }
0x3: {  	s0 =	sand.u32 $0x1, s1  }
0x4: {  	s18 =	sshll.u32 s0, $0xA;
	s2 =	sadd.s32 s3, s2  }
0x5: {  	s2 =	sadd.s32 s2, s18  }
0x6: {  	[smem:$0x3FC2] =	sst s2  }
0x7: {  	_ = 	snop  }
0x8: {  	s2 =	sld [smem:$0x3FD0];
	(tm) =	ssettm $0x1  }
0x9: {  	s19 =	sld [smem:$0x3FFB];
	_ =	sdelay $0x3  }
0xa: {  	_ =	strace s19  }
0xb: {  	s3 =	sld [smem:$0x3FFC];
	_ =	sdelay $0x3  }
0xc: {  	_ =	strace s3  }
0xd: {  	s3 =	sld [smem:$0x3FFD];
	_ =	sdelay $0x3  }
0xe: {  	_ =	strace s3  }
0xf: {  	_ =	strace $0x8FFFFFFF  }
0x10: {  	s20 =	sld [smem:$0x3FDB];
	_ =	sdelay $0x1  }
0x11: {  	s4 =	simm.s32 $_scs_section_size  }
0x12: {  	s5 =	simm.s32 $_size__tile_overlayer_lowered;
	s6 =	simm.s32 $_tile_overlayer_lowered  }
0x13: {  	s23 =	simm.s32 $0x1BFF;
	s22 =	sshll.u32 s6, $0x1;
	s3 =	sadd.s32 s4, s20  }
0x14: {  	s7 =	simm.s32 $0x0;
	s21 =	sshll.u32 s5, $0x1;
	s5 =	sadd.s32 s22, s3  }
0x15: {  	[timem:s7], [sflag:s23] =	dma.local [hbm:s5], s21  }
0x16: {  	_ =	swait.ge [sflag:s23], s21  }
0x17: {  	s4 =	ssub.s32 $0x0, s21;
	[sflag:s23] =	ssyncset.done $0x0  }
0x18: {  	[sflag:s23] =	ssyncadd.s32 s4;
	_ =	sdelay $0x1  }
0x19: {  	s24 =	simm.s32 $0x1B8B  }
0x1a: {  	_ =	swait.ge [sflag:s24], $0x1  }
0x1b: {  	[sflag:s24] =	ssyncset.done $0x0  }
0x1c: {  	s26 =	simm.s32 $0x1B8E;
	s25 =	sld [smem:$0x3FFE];
	[sflag:s24] =	ssyncadd.s32 $0xFFFFFFFF  }
0x1d: {  	s27 =	simm.s32 $execute0_lowered;
	[smem:$0x3FD2] =	sst s26  }
0x1e: {  	s5 =	sshll.u32 s27, $0x1;
	_ =	strace $0x8000004C;
	[dreg:$0x1] =	wrdreg $0xFFFFFFFF  }
0x1f: {  	s28 =	simm.s32 $_size_execute0_lowered;
	s3 =	sadd.s32 s3, s5;
	[dreg:$0x0] =	wrdreg $0x0  }
0x20: {  	s5 =	sshll.u32 s28, $0x1;
	[dreg:$0x2] =	wrdreg s3  }
0x21: {  	[dreg:$0x3] =	wrdreg s5  }
0x22: {  	[dreg:$0x4] =	wrdreg $0xC0  }
0x23: {  	_ =	task [dreg:s7], $0x5FFFF  }
0x24: {  	[dreg:$0x1] =	wrdreg $0xFFFFFFFF  }
0x25: {  	[dreg:$0x0] =	wrdreg $0x60  }
0x26: {  	[dreg:$0x2] =	wrdreg s25  }
0x27: {  	[dreg:$0x3] =	wrdreg s2  }
0x28: {  	[dreg:$0x4] =	wrdreg $0x9  }
0x29: {  	_ =	task.clear_ibuf [dreg:s7], $0x5FFFF;
	_ =	strace $0x9000004C  }
0x2a: {  	s29 =	simm.s32 $0x9;
	_ =	strace $0x8000004E  }
0x2b: {  	_ =	swait.ge [sflag:s29], $0x1  }
0x2c: {  	[sflag:s29] =	ssyncadd.s32 $0xFFFFFFFF  }
0x2d: {  	_ =	strace $0x9000004E  }
0x2e: {  	_ =	sfence  }
0x2f: {  	s30 =	sld [smem:$0x0];
	_ =	sdelay $0x2  }
0x30: {  	s31 =	sshll.u32 s1, $0xD;
	s1 =	sshrl.u32 s1, $0x2  }
0x31: {  	s3 =	sand.u32 $0x4000, s31;
	s1 =	sadd.s32 s1, s30  }
0x32: {  	s0 =	sor.u32 s3, s0;
	s1 =	sshll.u32 s1, $0x11  }
0x33: {  	s0 =	sor.u32 s1, s0  }
0x34: {  	s0 =	sadd.s32 $0x8F2B, s0  }
0x35: {  	[sflag:s0] =	ssyncadd.remote.s32 $0x1  }
0x36: {  	_ =	sfence.sel $0xFFFF  }
0x37: {  	[dreg:$0x0] =	wrdreg $0xFFFFFFFF;
	(pc) =	sbr.abs _section_cstart, $3  }
0x38: {  	[dreg:$0x1] =	wrdreg $0xFFFFFFFF  }
0x39: {  	_ =	task.clear_ibuf [dreg:s7], $0x2FFFF;
	_ =	strace $0x9FFFFFFF  }
0x3a: {  	(tm) =	ssettm $0x7FFFFFFF  }
0x3b: {  	_ =	shalt  }
tec
execute0_lowered:
.L_overlay_start_1:
0x0: {  	(tag) =	ssettag $0x1  }
0x1: {  	s0 =	srdreg.scid  }
0x2: {  	s1 =	sshll.u32 s0, $0x4  }
0x3: {  	s4 =	rddreg [dreg:$0x0];
	s0 =	stileid.u32;
	s1 =	sand.u32 $0x10, s1  }
0x4: {  	s2 =	rddreg [dreg:$0x1];
	s7 =	simm.s32 $0x1;
	s1 =	sor.u32 s0, s1  }
0x5: {  	s8 =	simm.s32 $0x2;
	s11 =	simm.s32 $0x0;
	s3 =	sshll.u32 s1, $0x7  }
0x6: {  	s10 =	simm.s32 $0x0;
	s4 =	sadd.s32 $0x1A00, s4;
	s6 =	ssub.s32 $0xC3500, s3  }
.Ltmp0:
0x7: {  	s1 =	rddreg [dreg:$0x2];
	s5 =	sand.u32 $0xF80, s6;
	(pc) =	sbr.rel .LBB1_1-.Ltmp0, $4  }
0x8: {  	_ =	strace $0x8000004D;
	s9 =	smov.u32 s3;
	p0 =	sne.s32 s5, $0x0  }
0x9: {  	s6 =	sshrl.u32 s6, $0xC;
	s5 =	simm.s32 $0x1;
	s7 =	simm.s32 @!p0 $0x0  }
0xa: {  	[sflag:s5] =	ssyncpa.u1 $0x0;
	p0 =	por $0x0, $0x0;
	s6 =	sadd.s32 s7, s6  }
0xb: {  	[sflag:s8] =	ssyncpa.u1 $0x0;
	s8 =	simm.s32 $0x61A800;
	s7 =	sadd.s32 $0x1, s6  }
.LBB1_4:
0xc: {  	s14 =	sshll.u32 s11, $0x3  }
0xd: {  	s14 =	sand.u32 $0xFFFFFC00, s14  }
0xe: {  	s15 =	sshrl.u32 s14, $0x8  }
0xf: {  	s15 =	smulhi.u32 $0x14F8B59, s15;
	_ =	sdelay $0x1  }
0x10: {  	s15 =	sshrl.u32 s15, $0x4  }
0x11: {  	s28 =	sand.u32 $0x7F, s11;
	s16 =	smul.u32 $0xC3500, s15  }
0x12: {  	s11 =	sor.u32 s28, s14  }
0x13: {  	s29 =	sand.u32 $0x1F, s15;
	s11 =	ssub.s32 s11, s16  }
0x14: {  	s14 =	smul.u32 $0x186A0, s29;
	s30 =	sshrl.u32 s11, $0x3;
	s11 =	sand.u32 $0x7, s11  }
0x15: {  	s15 =	sadd.s32 s2, s30;
	s11 =	sshll.u32 s11, $0x12  }
0x16: {  	[tilespmem:s13+$0x0 ss:$0x81] =	vst.msk $0xffff, v0;
	s31 =	sadd.s32 s14, s15;
	s11 =	sor.u32 $0x400, s11  }
0x17: {  	[hbm4b:s31+s11] =	stream.strided.scatter [tilespmem:s12], [sflag:$0x2], $0x1000, s8, s11, $0x20;
	[tilespmem:$0x4040] =	vst v63  }
.LBB1_5:
0x18: {  	s13 =	sadd.s32 $0x1000, s9  }
0x19: {  	p2 =	sgt.s32 s13, $0xC34FF  }
0x1a: {  	s13 =	smov.u32 @p2 s3;
	p2 =	sne.s32 s10, s7  }
.Ltmp1:
0x1b: {  	p1 =	slt.u32 s10, $0x2;
	(pc) =	sbr.rel @!p2 .LBB1_6-.Ltmp1, $4  }
0x1c: {  	s12 =	simm.s32 @!p1 $0x2  }
0x1d: {  	s14 =	sadd.s32 $0x1, s10;
	_ =	swait.ge @!p1 [sflag:s12], $0x1000  }
0x1e: {  	s11 =	smov.u32 s9;
	p0 =	por !p0, !p0;
	[sflag:s12] =	ssyncset.done @!p1 $0x0  }
0x1f: {  	s10 =	smov.u32 s14;
	s9 =	smov.u32 s13;
	[sflag:s12] =	ssyncadd.s32 @!p1 $0xFFFFF000  }
.LBB1_1:
0x20: {  	p1 =	sge.u32 s10, s6  }
0x21: {  	s12 =	sand.u32 @!p1 $0x1FFFFFF, s9  }
0x22: {  	s13 =	smulhi.u32 @!p1 $0x14F8B59, s12;
	_ =	sdelay $0x1  }
0x23: {  	s13 =	sshrl.u32 @!p1 s13, $0xC  }
0x24: {  	s13 =	smul.u32 @!p1 $0xC3500, s13;
	_ =	sdelay $0x1  }
0x25: {  	s31 =	sadd.s32 $0xFFFFFFFF, s10;
	s14 =	sxor.u32 @!p1 $0xFFFFFFFF, s10;
	s12 =	ssub.s32 @!p1 s12, s13  }
0x26: {  	s15 =	simm.s32 @!p1 $0x80;
	s14 =	sshll.u32 @!p1 s14, $0xC;
	s12 =	sshll.u32 @!p1 s12, $0x4  }
0x27: {  	s13 =	sand.u32 @!p1 $0x1000, s14;
	s14 =	simm.s32 @!p1 $0x20;
	s12 =	sadd.s32 @!p1 s4, s12  }
0x28: {  	[tilespmem:s13], [sflag:$0x1] =	stream.strided.gather @!p1 [hbm4b:s12+s14], $0x1000, s15, s14, $0x38;
	[tilespmem:$0x4040] =	vst v63  }
0x29: {  	p1 =	sge.u32 s31, s6  }
.Ltmp2:
0x2a: {  	_ = 	snop;
	(pc) =	sbr.rel @p1 .LBB1_5-.Ltmp2, $1  }
0x2b: {  	_ =	sdelay $0x3  }
0x2c: {  	s12 =	simm.s32 $0x1  }
0x2d: {  	_ =	swait.ge [sflag:s5], $0x1000;
	s12 =	simm.s32 @!p0 $0x0  }
0x2e: {  	[sflag:s5] =	ssyncset.done $0x0;
	s13 =	sshll.u32 s12, $0xC  }
0x2f: {  	[sflag:s5] =	ssyncadd.s32 $0xFFFFF000;
	s16 =	sor.u32 $0x10, s13  }
0x30: {  	s12 =	smul.u32 $0x4080, s12;
	v1 =	vld [tilespmem:s16+$0x0]  }
0x31: {  	s30 =	sand.u32 $0x1, s10;
	v0 =	vld [tilespmem:s16+$0xFFFFFFF0]  }
0x32: {  	s13 =	smul.u32 $0x4080, s30;
	s12 =	sshrl.u32 s12, $0x2  }
0x33: {  	s14 =	sor.u32 $0x2000, s12  }
0x34: {  	s31 =	sshrl.u32 s13, $0x2;
	s13 =	sadd.s32 $0x0, s14  }
0x35: {  	s15 =	simm.s32 $0x4;
	s16 =	sadd.s32 $0x20, s16;
	s12 =	sor.u32 $0x2000, s31;
	[tilespmem:s13+$0x810 ss:$0x81] =	vst.msk $0xffff, v1  }
.LBB1_3:
0x36: {  	v1 =	vld [tilespmem:s16+$0x0];
	p1 =	sne.s32 s15, $0x1FC;
	[tilespmem:s13+$0x0 ss:$0x81] =	vst.msk $0xffff, v0;
	s13 =	smov.u32 s15;
	s15 =	sadd.s32 $0x4, s15  }
.Ltmp3:
0x37: {  	v0 =	vld [tilespmem:s16+$0xFFFFFFF0];
	(pc) =	sbr.rel @p1 .LBB1_3-.Ltmp3, $4  }
0x38: {  	_ = 	snop  }
0x39: {  	s13 =	sshra.s32 s13, $0x2  }
0x3a: {  	s13 =	sadd.s32 s13, s14  }
0x3b: {  	s16 =	sadd.s32 $0x20, s16;
	[tilespmem:s13+$0x810 ss:$0x81] =	vst.msk $0xffff, v1  }
.Ltmp4:
0x3c: {  	_ = 	snop;
	(pc) =	sbr.rel .LBB1_4-.Ltmp4, $1  }
0x3d: {  	_ =	sdelay $0x3  }
.LBB1_6:
0x3e: {  	_ =	sfence.sel $0x180000  }
0x3f: {  	s2 =	simm.s32 $0x1;
	[bflag:$0x0] =	sbarrier.arrive $0xFFFF  }
0x40: {  	s31 =	simm.s32 $0x2;
	[sflag:s2] =	ssyncpa.u1 $0x1  }
0x41: {  	[sflag:s31] =	ssyncpa.u1 $0x1  }
0x42: {  	p0 =	sne.s32 s0, $0x0;
	_ =	strace $0x9000004D  }
0x43: {  	s0 =	sadd.s32 @!p0 $0x100000, s1;
	[bflag:$0x2] =	sbarrier.arrive $0xFFFF  }
0x44: {  	[sflag:s0] =	ssyncadd.tile.s32 @!p0 $0x1;
	_ =	shalt  }
.Lfunc_end1:
_tile_overlayer_lowered:
.L_overlay_start_2:
0x45: {  	(tag) =	ssettag $0x2  }
0x46: {  	s0 =	rddreg [dreg:$0x0];
	s2 =	stileid.u32  }
0x47: {  	s1 =	rddreg [dreg:$0x1];
	p0 =	sne.s32 s2, $0x0  }
0x48: {  	s3 =	rddreg [dreg:$0x2];
	[bflag:$0x3] =	sbarrier.arrive $0xFFFF;
	s2 =	simm.s32 @!p0 $0x1C01  }
0x49: {  	[timem:s3], [sflag:s2] =	dma.local @!p0 [hbm:s0], s1  }
0x4a: {  	s0 =	simm.s32 @!p0 $0x1  }
0x4b: {  	_ =	swait.ge @!p0 [sflag:s0], s1  }
0x4c: {  	s1 =	ssub.s32 @!p0 $0x0, s1;
	[sflag:s0] =	ssyncset.done @!p0 $0x0  }
0x4d: {  	[sflag:s0] =	ssyncadd.s32 @!p0 s1  }
0x4e: {  	[bflag:$0x3] =	sbarrier.arrive $0xFFFF  }
0x4f: {  	_ =	shalt  }

</sc_bundles>
